<compile_context>
chip_gen: v7x
topology: tpu7x:2x2x1
jax: 0.10.2.dev20260603
libtpu: 0.0.44.dev20260713+nightly
codegen_flags: <defaults>
</compile_context>

<pallas_src>
import functools

import jax
import jax.numpy as jnp
from jax import lax
from jax.experimental import pallas as pl
from jax.experimental.pallas import tpu as pltpu
from jax.experimental.pallas import tpu_sc as plsc

_NUM_BINS = 8
_LEFT = 0.0
_RIGHT = 25.0
_L = 16
_INV_W = 8.0 / 25.0


@functools.lru_cache(maxsize=None)
def _spline_call(n: int):
    info = plsc.get_sparse_core_info()
    nc, ns = info.num_cores, info.num_subcores
    nw = nc * ns
    assert n % nw == 0
    per_w = n // nw
    nbuf = 2
    ch = min(per_w, 16384)
    assert per_w % (nbuf * ch) == 0
    n_chunks = per_w // ch

    mesh = plsc.VectorSubcoreMesh(core_axis_name="c", subcore_axis_name="s")

    def body(x_hbm, tab_hbm, out_hbm, xbuf, ybuf, tab_a, tab_s, *sems):
        wid = lax.axis_index("s") * nc + lax.axis_index("c")
        base = wid * per_w
        in_sems = sems[:nbuf]
        out_sems = sems[nbuf:]
        pltpu.sync_copy(tab_hbm.at[pl.ds(0, _L)], tab_a)
        pltpu.sync_copy(tab_hbm.at[pl.ds(_L, _L)], tab_s)
        tab_av = tab_a[...]

        for b in range(nbuf):
            pltpu.async_copy(x_hbm.at[pl.ds(base + b * ch, ch)],
                             xbuf.at[b], in_sems[b])

        def outer(ci0, carry):
            for b in range(nbuf):
                ci = ci0 * nbuf + b
                off = base + ci * ch
                pltpu.make_async_copy(x_hbm.at[pl.ds(off, ch)],
                                      xbuf.at[b], in_sems[b]).wait()

                @pl.when(ci >= nbuf)
                def _wait_out():
                    pltpu.make_async_copy(ybuf.at[b],
                                          out_hbm.at[pl.ds(off, ch)],
                                          out_sems[b]).wait()

                @plsc.parallel_loop(0, ch // _L, unroll=16)
                def it(i):
                    xv = xbuf[b, pl.ds(i * _L, _L)]
                    xc = jnp.maximum(xv, _LEFT)
                    bi = (xc * _INV_W).astype(jnp.int32)
                    av = tab_av.at[bi].get(mode="promise_in_bounds")
                    sv = plsc.load_gather(tab_s, [bi])
                    ybuf[b, pl.ds(i * _L, _L)] = av + sv * xc

                pltpu.async_copy(ybuf.at[b], out_hbm.at[pl.ds(off, ch)],
                                 out_sems[b])

                @pl.when(ci + nbuf < n_chunks)
                def _next_in():
                    pltpu.async_copy(x_hbm.at[pl.ds(off + nbuf * ch, ch)],
                                     xbuf.at[b], in_sems[b])

            return carry

        lax.fori_loop(0, n_chunks // nbuf, outer, 0)
        for b in range(nbuf):
            off = base + (n_chunks - nbuf + b) * ch
            pltpu.make_async_copy(ybuf.at[b], out_hbm.at[pl.ds(off, ch)],
                                  out_sems[b]).wait()

    return pl.kernel(
        body,
        out_type=jax.ShapeDtypeStruct((n,), jnp.float32),
        mesh=mesh,
        compiler_params=pltpu.CompilerParams(needs_layout_passes=False),
        scratch_types=[
            pltpu.VMEM((nbuf, ch), jnp.float32),
            pltpu.VMEM((nbuf, ch), jnp.float32),
            pltpu.VMEM((_L,), jnp.float32),
            pltpu.VMEM((_L,), jnp.float32),
        ] + [pltpu.SemaphoreType.DMA] * (2 * nbuf),
    )


def kernel(x, delta_h):
    original_shape = x.shape
    xf = x.reshape(-1)
    n = xf.shape[0]
    knots = jnp.linspace(_LEFT, _RIGHT, _NUM_BINS + 1).astype(jnp.float32)
    deltas = jax.nn.softplus(delta_h)
    h = jnp.concatenate([jnp.zeros((1,), deltas.dtype), jnp.cumsum(deltas)])
    h = h / (h[-1] + 1e-06)
    s = (h[1:] - h[:-1]) / (knots[1:] - knots[:-1] + 1e-08)
    a = h[:-1] - s * knots[:-1]
    pad_a = jnp.ones((_L - _NUM_BINS,), jnp.float32)
    pad_s = jnp.zeros((_L - _NUM_BINS,), jnp.float32)
    tab = jnp.concatenate([a, pad_a, s, pad_s]).astype(jnp.float32)

    y = _spline_call(n)(xf, tab)
    return y.reshape(original_shape)

# --- scband reference (transcript-rebuilt; emitter-appended) ---
"""Pipeline reference for scband-monotonic-spline-47545287966762 (READ-ONLY COPY).

The authoritative reference and input builder live on the scoring server;
editing this copy changes nothing except your own understanding.
"""

import jax, jax.numpy as jnp
import numpy as np

NUM_BINS = 8
LEFT = 0.0
RIGHT = 25.0
N = 16777216

def setup_inputs(seed: int = 0) -> dict:
    key = jax.random.key(seed)
    k1, k2 = jax.random.split(key)
    # spread values a bit beyond [left, right] so the out-of-range branches are exercised
    x = jax.random.uniform(k1, (N,), dtype=jnp.float32) * 30.0 - 2.0
    delta_h = jax.random.normal(k2, (NUM_BINS,), dtype=jnp.float32) * 0.1
    return {"x": x, "delta_h": delta_h}

def reference(x, delta_h):
    knots = jnp.linspace(LEFT, RIGHT, NUM_BINS + 1).astype(jnp.float32)
    original_shape = x.shape
    xf = x.reshape(-1)
    deltas = jax.nn.softplus(delta_h)
    h = jnp.concatenate([jnp.zeros((1,), dtype=deltas.dtype), jnp.cumsum(deltas)], axis=0)
    h = h / (h[-1] + 1e-06)
    x_clamped = jnp.clip(xf, LEFT, RIGHT)
    idx = jnp.searchsorted(knots, x_clamped, side='left')
    idx = jnp.clip(idx, 1, NUM_BINS)
    i0 = idx - 1
    i1 = idx
    t0 = jnp.take(knots, i0)
    t1 = jnp.take(knots, i1)
    y0 = jnp.take(h, i0)
    y1 = jnp.take(h, i1)
    slope = (y1 - y0) / (t1 - t0 + 1e-08)
    y = y0 + slope * (x_clamped - t0)
    y = jnp.where(xf < LEFT, 0.0, y)
    y = jnp.where(xf > RIGHT, 1.0, y)
    y = jnp.clip(y, 0.0, 1.0)
    return y.reshape(original_shape)

if __name__ == "__main__":
    import jax
    _d = setup_inputs()
    print(jax.jit(kernel)(*tuple(_d.values())))

</pallas_src>

<mosaic_0001>
#map = affine_map<(d0, d1) -> (0)>
module attributes {stable_mosaic.version = 14 : i64} {
  func.func @body(%arg0: i32, %arg1: i32, %arg2: memref<16777216xf32, #tpu.memory_space<hbm>>, %arg3: memref<32xf32, #tpu.memory_space<hbm>>, %arg4: memref<16777216xf32, #tpu.memory_space<hbm>>, %arg5: memref<2x16384xf32, #tpu.memory_space<vmem>>, %arg6: memref<2x16384xf32, #tpu.memory_space<vmem>>, %arg7: memref<16xf32, #tpu.memory_space<vmem>>, %arg8: memref<16xf32, #tpu.memory_space<vmem>>, %arg9: memref<!tpu.dma_semaphore, #tpu.memory_space<semaphore_mem>>, %arg10: memref<!tpu.dma_semaphore, #tpu.memory_space<semaphore_mem>>, %arg11: memref<!tpu.dma_semaphore, #tpu.memory_space<semaphore_mem>>, %arg12: memref<!tpu.dma_semaphore, #tpu.memory_space<semaphore_mem>>) attributes {dimension_semantics = [#tpu.dimension_semantics<core_parallel>, #tpu.dimension_semantics<subcore_parallel>], iteration_bounds = array<i64: 2, 16>, scalar_prefetch = 0 : i64, scratch_operands = 8 : i64, tpu.core_type = #tpu.core_type<sc_vector_subcore>, window_params = [{transform_indices = #map}, {transform_indices = #map}, {transform_indices = #map}]} {
    %mul3A = arith.constant 2 : i32
    %mul3A_0 = arith.muli %arg1, %mul3A : i32
    %add3A = arith.addi %mul3A_0, %arg0 : i32
    %mul3A_1 = arith.constant 524288 : i32
    %mul3A_2 = arith.muli %add3A, %mul3A_1 : i32
    "tpu.region"() ({
      %run_scoped3A = tpu.sem_alloc : memref<!tpu.dma_semaphore, #tpu.memory_space<semaphore_mem>>
      %dma_start3A_51 = arith.constant 0 : i32
      %dma_start3A_52 = tpu.memref_slice %arg3[%dma_start3A_51] : memref<32xf32, #tpu.memory_space<hbm>> -> memref<16xf32, #tpu.memory_space<hbm>>
      %dma_start3A_53 = arith.constant 0 : i32
      %dma_start3A_54 = tpu.memref_slice %arg3[%dma_start3A_53] : memref<32xf32, #tpu.memory_space<hbm>> -> memref<16xf32, #tpu.memory_space<hbm>>
      tpu.enqueue_dma source(%dma_start3A_54 : memref<16xf32, #tpu.memory_space<hbm>>) target(%arg7 : memref<16xf32, #tpu.memory_space<vmem>>) target_semaphore(%run_scoped3A : memref<!tpu.dma_semaphore, #tpu.memory_space<semaphore_mem>>)
      %dma_wait3A_55 = arith.constant 0 : i32
      %dma_wait3A_56 = tpu.memref_slice %arg3[%dma_wait3A_55] : memref<32xf32, #tpu.memory_space<hbm>> -> memref<16xf32, #tpu.memory_space<hbm>>
      %dma_wait3A_57 = arith.constant 0 : i32
      %dma_wait3A_58 = tpu.memref_slice %arg3[%dma_wait3A_57] : memref<32xf32, #tpu.memory_space<hbm>> -> memref<16xf32, #tpu.memory_space<hbm>>
      tpu.wait_dma2 semaphore(%run_scoped3A : memref<!tpu.dma_semaphore, #tpu.memory_space<semaphore_mem>>) src(%dma_wait3A_58 : memref<16xf32, #tpu.memory_space<hbm>>) dst(%arg7 : memref<16xf32, #tpu.memory_space<vmem>>)
      tpu.yield
    }) : () -> ()
    "tpu.region"() ({
      %run_scoped3A = tpu.sem_alloc : memref<!tpu.dma_semaphore, #tpu.memory_space<semaphore_mem>>
      %dma_start3A_51 = arith.constant 16 : i32
      %dma_start3A_52 = tpu.memref_slice %arg3[%dma_start3A_51] : memref<32xf32, #tpu.memory_space<hbm>> -> memref<16xf32, #tpu.memory_space<hbm>>
      %dma_start3A_53 = arith.constant 16 : i32
      %dma_start3A_54 = tpu.memref_slice %arg3[%dma_start3A_53] : memref<32xf32, #tpu.memory_space<hbm>> -> memref<16xf32, #tpu.memory_space<hbm>>
      tpu.enqueue_dma source(%dma_start3A_54 : memref<16xf32, #tpu.memory_space<hbm>>) target(%arg8 : memref<16xf32, #tpu.memory_space<vmem>>) target_semaphore(%run_scoped3A : memref<!tpu.dma_semaphore, #tpu.memory_space<semaphore_mem>>)
      %dma_wait3A_55 = arith.constant 16 : i32
      %dma_wait3A_56 = tpu.memref_slice %arg3[%dma_wait3A_55] : memref<32xf32, #tpu.memory_space<hbm>> -> memref<16xf32, #tpu.memory_space<hbm>>
      %dma_wait3A_57 = arith.constant 16 : i32
      %dma_wait3A_58 = tpu.memref_slice %arg3[%dma_wait3A_57] : memref<32xf32, #tpu.memory_space<hbm>> -> memref<16xf32, #tpu.memory_space<hbm>>
      tpu.wait_dma2 semaphore(%run_scoped3A : memref<!tpu.dma_semaphore, #tpu.memory_space<semaphore_mem>>) src(%dma_wait3A_58 : memref<16xf32, #tpu.memory_space<hbm>>) dst(%arg8 : memref<16xf32, #tpu.memory_space<vmem>>)
      tpu.yield
    }) : () -> ()
    %get3A = arith.constant 0 : index
    %get3A_3 = tpu.vector_load %arg7[%get3A] {strides = array<i32>} : memref<16xf32, #tpu.memory_space<vmem>>, vector<16xf32>,
    %add3A_4 = arith.constant 0 : i32
    %add3A_5 = arith.addi %mul3A_2, %add3A_4 : i32
    %dma_start3A = arith.constant 0 : i32
    %dma_start3A_6 = arith.constant 0 : i32
    %dma_start3A_7 = tpu.memref_slice %arg5[%dma_start3A, %dma_start3A_6] : memref<2x16384xf32, #tpu.memory_space<vmem>> -> memref<1x16384xf32, #tpu.memory_space<vmem>>
    %dma_start3A_8 = tpu.memref_squeeze %dma_start3A_7 : memref<1x16384xf32, #tpu.memory_space<vmem>> -> memref<16384xf32, #tpu.memory_space<vmem>>
    %dma_start3A_9 = tpu.memref_slice %arg2[%add3A_5] : memref<16777216xf32, #tpu.memory_space<hbm>> -> memref<16384xf32, #tpu.memory_space<hbm>>
    %dma_start3A_10 = arith.constant 0 : i32
    %dma_start3A_11 = tpu.memref_slice %arg5[%dma_start3A, %dma_start3A_10] : memref<2x16384xf32, #tpu.memory_space<vmem>> -> memref<1x16384xf32, #tpu.memory_space<vmem>>
    %dma_start3A_12 = tpu.memref_squeeze %dma_start3A_11 : memref<1x16384xf32, #tpu.memory_space<vmem>> -> memref<16384xf32, #tpu.memory_space<vmem>>
    %dma_start3A_13 = tpu.memref_slice %arg2[%add3A_5] : memref<16777216xf32, #tpu.memory_space<hbm>> -> memref<16384xf32, #tpu.memory_space<hbm>>
    tpu.enqueue_dma source(%dma_start3A_13 : memref<16384xf32, #tpu.memory_space<hbm>>) target(%dma_start3A_12 : memref<16384xf32, #tpu.memory_space<vmem>>) target_semaphore(%arg9 : memref<!tpu.dma_semaphore, #tpu.memory_space<semaphore_mem>>)
    %add3A_14 = arith.constant 16384 : i32
    %add3A_15 = arith.addi %mul3A_2, %add3A_14 : i32
    %dma_start3A_16 = arith.constant 1 : i32
    %dma_start3A_17 = arith.constant 0 : i32
    %dma_start3A_18 = tpu.memref_slice %arg5[%dma_start3A_16, %dma_start3A_17] : memref<2x16384xf32, #tpu.memory_space<vmem>> -> memref<1x16384xf32, #tpu.memory_space<vmem>>
    %dma_start3A_19 = tpu.memref_squeeze %dma_start3A_18 : memref<1x16384xf32, #tpu.memory_space<vmem>> -> memref<16384xf32, #tpu.memory_space<vmem>>
    %dma_start3A_20 = tpu.memref_slice %arg2[%add3A_15] : memref<16777216xf32, #tpu.memory_space<hbm>> -> memref<16384xf32, #tpu.memory_space<hbm>>
    %dma_start3A_21 = arith.constant 0 : i32
    %dma_start3A_22 = tpu.memref_slice %arg5[%dma_start3A_16, %dma_start3A_21] : memref<2x16384xf32, #tpu.memory_space<vmem>> -> memref<1x16384xf32, #tpu.memory_space<vmem>>
    %dma_start3A_23 = tpu.memref_squeeze %dma_start3A_22 : memref<1x16384xf32, #tpu.memory_space<vmem>> -> memref<16384xf32, #tpu.memory_space<vmem>>
    %dma_start3A_24 = tpu.memref_slice %arg2[%add3A_15] : memref<16777216xf32, #tpu.memory_space<hbm>> -> memref<16384xf32, #tpu.memory_space<hbm>>
    tpu.enqueue_dma source(%dma_start3A_24 : memref<16384xf32, #tpu.memory_space<hbm>>) target(%dma_start3A_23 : memref<16384xf32, #tpu.memory_space<vmem>>) target_semaphore(%arg10 : memref<!tpu.dma_semaphore, #tpu.memory_space<semaphore_mem>>)
    %scan3A = arith.constant 0 : i32
    %scan3A_25 = arith.constant 0 : i32
    %scan3A_26 = arith.constant 16 : i32
    %scan3A_27 = arith.addi %scan3A_25, %scan3A_26 : i32
    %scan3A_28 = arith.constant 1 : i32
    scf.for %scan3A_51 = %scan3A_25 to %scan3A_27 step %scan3A_28  : i32 {
      %mul3A_52 = arith.constant 2 : i32
      %mul3A_53 = arith.muli %scan3A_51, %mul3A_52 : i32
      %add3A_54 = arith.constant 0 : i32
      %add3A_55 = arith.addi %mul3A_53, %add3A_54 : i32
      %mul3A_56 = arith.constant 16384 : i32
      %mul3A_57 = arith.muli %add3A_55, %mul3A_56 : i32
      %add3A_58 = arith.addi %mul3A_2, %mul3A_57 : i32
      %dma_wait3A_59 = arith.constant 0 : i32
      %dma_wait3A_60 = arith.constant 0 : i32
      %dma_wait3A_61 = tpu.memref_slice %arg5[%dma_wait3A_59, %dma_wait3A_60] : memref<2x16384xf32, #tpu.memory_space<vmem>> -> memref<1x16384xf32, #tpu.memory_space<vmem>>
      %dma_wait3A_62 = tpu.memref_squeeze %dma_wait3A_61 : memref<1x16384xf32, #tpu.memory_space<vmem>> -> memref<16384xf32, #tpu.memory_space<vmem>>
      %dma_wait3A_63 = tpu.memref_slice %arg2[%add3A_58] : memref<16777216xf32, #tpu.memory_space<hbm>> -> memref<16384xf32, #tpu.memory_space<hbm>>
      %dma_wait3A_64 = arith.constant 0 : i32
      %dma_wait3A_65 = tpu.memref_slice %arg5[%dma_wait3A_59, %dma_wait3A_64] : memref<2x16384xf32, #tpu.memory_space<vmem>> -> memref<1x16384xf32, #tpu.memory_space<vmem>>
      %dma_wait3A_66 = tpu.memref_squeeze %dma_wait3A_65 : memref<1x16384xf32, #tpu.memory_space<vmem>> -> memref<16384xf32, #tpu.memory_space<vmem>>
      %dma_wait3A_67 = tpu.memref_slice %arg2[%add3A_58] : memref<16777216xf32, #tpu.memory_space<hbm>> -> memref<16384xf32, #tpu.memory_space<hbm>>
      tpu.wait_dma2 semaphore(%arg9 : memref<!tpu.dma_semaphore, #tpu.memory_space<semaphore_mem>>) src(%dma_wait3A_67 : memref<16384xf32, #tpu.memory_space<hbm>>) dst(%dma_wait3A_66 : memref<16384xf32, #tpu.memory_space<vmem>>)
      %ge3A = arith.constant 2 : i32
      %ge3A_68 = arith.cmpi sge, %add3A_55, %ge3A : i32
      %convert_element_type3A = arith.extui %ge3A_68 : i1 to i32
      %cond3A = arith.constant 0 : i32
      %cond3A_69 = arith.cmpi ne, %convert_element_type3A, %cond3A : i32
      scf.if %cond3A_69 {
        %dma_wait3A_127 = arith.constant 0 : i32
        %dma_wait3A_128 = arith.constant 0 : i32
        %dma_wait3A_129 = tpu.memref_slice %arg6[%dma_wait3A_127, %dma_wait3A_128] : memref<2x16384xf32, #tpu.memory_space<vmem>> -> memref<1x16384xf32, #tpu.memory_space<vmem>>
        %dma_wait3A_130 = tpu.memref_squeeze %dma_wait3A_129 : memref<1x16384xf32, #tpu.memory_space<vmem>> -> memref<16384xf32, #tpu.memory_space<vmem>>
        %dma_wait3A_131 = tpu.memref_slice %arg4[%add3A_58] : memref<16777216xf32, #tpu.memory_space<hbm>> -> memref<16384xf32, #tpu.memory_space<hbm>>
        %dma_wait3A_132 = tpu.memref_slice %arg4[%add3A_58] : memref<16777216xf32, #tpu.memory_space<hbm>> -> memref<16384xf32, #tpu.memory_space<hbm>>
        %dma_wait3A_133 = arith.constant 0 : i32
        %dma_wait3A_134 = tpu.memref_slice %arg6[%dma_wait3A_127, %dma_wait3A_133] : memref<2x16384xf32, #tpu.memory_space<vmem>> -> memref<1x16384xf32, #tpu.memory_space<vmem>>
        %dma_wait3A_135 = tpu.memref_squeeze %dma_wait3A_134 : memref<1x16384xf32, #tpu.memory_space<vmem>> -> memref<16384xf32, #tpu.memory_space<vmem>>
        tpu.wait_dma2 semaphore(%arg11 : memref<!tpu.dma_semaphore, #tpu.memory_space<semaphore_mem>>) src(%dma_wait3A_135 : memref<16384xf32, #tpu.memory_space<vmem>>) dst(%dma_wait3A_132 : memref<16384xf32, #tpu.memory_space<hbm>>)
      } else {
      }
      %parallel_loop3A = arith.constant 0 : i32
      %parallel_loop3A_70 = arith.constant 1024 : i32
      %parallel_loop3A_71 = arith.constant 1 : i32
      scf.for %parallel_loop3A_127 = %parallel_loop3A to %parallel_loop3A_70 step %parallel_loop3A_71  : i32 {
        %parallel_loop3A_128 = arith.constant 16 : i32
        %parallel_loop3A_129 = arith.muli %parallel_loop3A_127, %parallel_loop3A_128 : i32
        %parallel_loop3A_130 = arith.constant 0 : i32
        %parallel_loop3A_131 = arith.index_cast %parallel_loop3A_130 : i32 to index
        %parallel_loop3A_132 = arith.index_cast %parallel_loop3A_129 : i32 to index
        %parallel_loop3A_133 = tpu.vector_load %arg5[%parallel_loop3A_131, %parallel_loop3A_132] {strides = array<i32>} : memref<2x16384xf32, #tpu.memory_space<vmem>>, vector<16xf32>,
        %parallel_loop3A_134 = arith.constant 0.000000e+00 : f32
        %parallel_loop3A_135 = vector.broadcast %parallel_loop3A_134 : f32 to vector<16xf32>
        %parallel_loop3A_136 = arith.maximumf %parallel_loop3A_133, %parallel_loop3A_135 : vector<16xf32>
        %parallel_loop3A_137 = arith.constant 3.200000e-01 : f32
        %parallel_loop3A_138 = vector.broadcast %parallel_loop3A_137 : f32 to vector<16xf32>
        %parallel_loop3A_139 = arith.mulf %parallel_loop3A_136, %parallel_loop3A_138 : vector<16xf32>
        %parallel_loop3A_140 = arith.fptosi %parallel_loop3A_139 : vector<16xf32> to vector<16xi32>
        %parallel_loop3A_141 = arith.constant 0 : i32
        %parallel_loop3A_142 = vector.broadcast %parallel_loop3A_141 : i32 to vector<16xi32>
        %parallel_loop3A_143 = arith.cmpi slt, %parallel_loop3A_140, %parallel_loop3A_142 : vector<16xi32>
        %parallel_loop3A_144 = arith.constant 16 : i32
        %parallel_loop3A_145 = vector.broadcast %parallel_loop3A_144 : i32 to vector<16xi32>
        %parallel_loop3A_146 = arith.addi %parallel_loop3A_140, %parallel_loop3A_145 : vector<16xi32>
        %parallel_loop3A_147 = arith.select %parallel_loop3A_143, %parallel_loop3A_146, %parallel_loop3A_140 : vector<16xi1>, vector<16xi32>
        %parallel_loop3A_148 = vector.shape_cast %parallel_loop3A_147 : vector<16xi32> to vector<16x1xi32>
        %parallel_loop3A_149 = vector.shape_cast %parallel_loop3A_148 : vector<16x1xi32> to vector<16xi32>
        %parallel_loop3A_150 = tpu.dynamic_gather %get3A_3[%parallel_loop3A_149] in [0] : vector<16xf32>, vector<16xi32> -> vector<16xf32>
        %parallel_loop3A_151 = tpu.vector_load_idx %arg8[%parallel_loop3A_140] : memref<16xf32, #tpu.memory_space<vmem>>[vector<16xi32>], vector<16xf32>,
        %parallel_loop3A_152 = arith.mulf %parallel_loop3A_151, %parallel_loop3A_136 : vector<16xf32>
        %parallel_loop3A_153 = arith.addf %parallel_loop3A_150, %parallel_loop3A_152 : vector<16xf32>
        %parallel_loop3A_154 = arith.constant 16 : i32
        %parallel_loop3A_155 = arith.muli %parallel_loop3A_127, %parallel_loop3A_154 : i32
        %parallel_loop3A_156 = arith.constant 0 : i32
        %parallel_loop3A_157 = arith.index_cast %parallel_loop3A_156 : i32 to index
        %parallel_loop3A_158 = arith.index_cast %parallel_loop3A_155 : i32 to index
        %parallel_loop3A_159 = tpu.vector_load %arg6[%parallel_loop3A_157, %parallel_loop3A_158] {strides = array<i32>} : memref<2x16384xf32, #tpu.memory_space<vmem>>, vector<16xf32>,
        tpu.vector_store %arg6[%parallel_loop3A_157, %parallel_loop3A_158], %parallel_loop3A_153 {strides = array<i32>} : memref<2x16384xf32, #tpu.memory_space<vmem>>, vector<16xf32>,
      } {sc.loop_unroll_factor = 16 : i64, sc.parallel_access}
      %dma_start3A_72 = arith.constant 0 : i32
      %dma_start3A_73 = arith.constant 0 : i32
      %dma_start3A_74 = tpu.memref_slice %arg6[%dma_start3A_72, %dma_start3A_73] : memref<2x16384xf32, #tpu.memory_space<vmem>> -> memref<1x16384xf32, #tpu.memory_space<vmem>>
      %dma_start3A_75 = tpu.memref_squeeze %dma_start3A_74 : memref<1x16384xf32, #tpu.memory_space<vmem>> -> memref<16384xf32, #tpu.memory_space<vmem>>
      %dma_start3A_76 = tpu.memref_slice %arg4[%add3A_58] : memref<16777216xf32, #tpu.memory_space<hbm>> -> memref<16384xf32, #tpu.memory_space<hbm>>
      %dma_start3A_77 = tpu.memref_slice %arg4[%add3A_58] : memref<16777216xf32, #tpu.memory_space<hbm>> -> memref<16384xf32, #tpu.memory_space<hbm>>
      %dma_start3A_78 = arith.constant 0 : i32
      %dma_start3A_79 = tpu.memref_slice %arg6[%dma_start3A_72, %dma_start3A_78] : memref<2x16384xf32, #tpu.memory_space<vmem>> -> memref<1x16384xf32, #tpu.memory_space<vmem>>
      %dma_start3A_80 = tpu.memref_squeeze %dma_start3A_79 : memref<1x16384xf32, #tpu.memory_space<vmem>> -> memref<16384xf32, #tpu.memory_space<vmem>>
      tpu.enqueue_dma source(%dma_start3A_80 : memref<16384xf32, #tpu.memory_space<vmem>>) target(%dma_start3A_77 : memref<16384xf32, #tpu.memory_space<hbm>>) target_semaphore(%arg11 : memref<!tpu.dma_semaphore, #tpu.memory_space<semaphore_mem>>)
      %add3A_81 = arith.constant 2 : i32
      %add3A_82 = arith.addi %add3A_55, %add3A_81 : i32
      %lt3A = arith.constant 32 : i32
      %lt3A_83 = arith.cmpi slt, %add3A_82, %lt3A : i32
      %convert_element_type3A_84 = arith.extui %lt3A_83 : i1 to i32
      %cond3A_85 = arith.constant 0 : i32
      %cond3A_86 = arith.cmpi ne, %convert_element_type3A_84, %cond3A_85 : i32
      scf.if %cond3A_86 {
        %add3A_127 = arith.constant 32768 : i32
        %add3A_128 = arith.addi %add3A_58, %add3A_127 : i32
        %dma_start3A_129 = arith.constant 0 : i32
        %dma_start3A_130 = arith.constant 0 : i32
        %dma_start3A_131 = tpu.memref_slice %arg5[%dma_start3A_129, %dma_start3A_130] : memref<2x16384xf32, #tpu.memory_space<vmem>> -> memref<1x16384xf32, #tpu.memory_space<vmem>>
        %dma_start3A_132 = tpu.memref_squeeze %dma_start3A_131 : memref<1x16384xf32, #tpu.memory_space<vmem>> -> memref<16384xf32, #tpu.memory_space<vmem>>
        %dma_start3A_133 = tpu.memref_slice %arg2[%add3A_128] : memref<16777216xf32, #tpu.memory_space<hbm>> -> memref<16384xf32, #tpu.memory_space<hbm>>
        %dma_start3A_134 = arith.constant 0 : i32
        %dma_start3A_135 = tpu.memref_slice %arg5[%dma_start3A_129, %dma_start3A_134] : memref<2x16384xf32, #tpu.memory_space<vmem>> -> memref<1x16384xf32, #tpu.memory_space<vmem>>
        %dma_start3A_136 = tpu.memref_squeeze %dma_start3A_135 : memref<1x16384xf32, #tpu.memory_space<vmem>> -> memref<16384xf32, #tpu.memory_space<vmem>>
        %dma_start3A_137 = tpu.memref_slice %arg2[%add3A_128] : memref<16777216xf32, #tpu.memory_space<hbm>> -> memref<16384xf32, #tpu.memory_space<hbm>>
        tpu.enqueue_dma source(%dma_start3A_137 : memref<16384xf32, #tpu.memory_space<hbm>>) target(%dma_start3A_136 : memref<16384xf32, #tpu.memory_space<vmem>>) target_semaphore(%arg9 : memref<!tpu.dma_semaphore, #tpu.memory_space<semaphore_mem>>)
      } else {
      }
      %mul3A_87 = arith.constant 2 : i32
      %mul3A_88 = arith.muli %scan3A_51, %mul3A_87 : i32
      %add3A_89 = arith.constant 1 : i32
      %add3A_90 = arith.addi %mul3A_88, %add3A_89 : i32
      %mul3A_91 = arith.constant 16384 : i32
      %mul3A_92 = arith.muli %add3A_90, %mul3A_91 : i32
      %add3A_93 = arith.addi %mul3A_2, %mul3A_92 : i32
      %dma_wait3A_94 = arith.constant 1 : i32
      %dma_wait3A_95 = arith.constant 0 : i32
      %dma_wait3A_96 = tpu.memref_slice %arg5[%dma_wait3A_94, %dma_wait3A_95] : memref<2x16384xf32, #tpu.memory_space<vmem>> -> memref<1x16384xf32, #tpu.memory_space<vmem>>
      %dma_wait3A_97 = tpu.memref_squeeze %dma_wait3A_96 : memref<1x16384xf32, #tpu.memory_space<vmem>> -> memref<16384xf32, #tpu.memory_space<vmem>>
      %dma_wait3A_98 = tpu.memref_slice %arg2[%add3A_93] : memref<16777216xf32, #tpu.memory_space<hbm>> -> memref<16384xf32, #tpu.memory_space<hbm>>
      %dma_wait3A_99 = arith.constant 0 : i32
      %dma_wait3A_100 = tpu.memref_slice %arg5[%dma_wait3A_94, %dma_wait3A_99] : memref<2x16384xf32, #tpu.memory_space<vmem>> -> memref<1x16384xf32, #tpu.memory_space<vmem>>
      %dma_wait3A_101 = tpu.memref_squeeze %dma_wait3A_100 : memref<1x16384xf32, #tpu.memory_space<vmem>> -> memref<16384xf32, #tpu.memory_space<vmem>>
      %dma_wait3A_102 = tpu.memref_slice %arg2[%add3A_93] : memref<16777216xf32, #tpu.memory_space<hbm>> -> memref<16384xf32, #tpu.memory_space<hbm>>
      tpu.wait_dma2 semaphore(%arg10 : memref<!tpu.dma_semaphore, #tpu.memory_space<semaphore_mem>>) src(%dma_wait3A_102 : memref<16384xf32, #tpu.memory_space<hbm>>) dst(%dma_wait3A_101 : memref<16384xf32, #tpu.memory_space<vmem>>)
      %ge3A_103 = arith.constant 2 : i32
      %ge3A_104 = arith.cmpi sge, %add3A_90, %ge3A_103 : i32
      %convert_element_type3A_105 = arith.extui %ge3A_104 : i1 to i32
      %cond3A_106 = arith.constant 0 : i32
      %cond3A_107 = arith.cmpi ne, %convert_element_type3A_105, %cond3A_106 : i32
      scf.if %cond3A_107 {
        %dma_wait3A_127 = arith.constant 1 : i32
        %dma_wait3A_128 = arith.constant 0 : i32
        %dma_wait3A_129 = tpu.memref_slice %arg6[%dma_wait3A_127, %dma_wait3A_128] : memref<2x16384xf32, #tpu.memory_space<vmem>> -> memref<1x16384xf32, #tpu.memory_space<vmem>>
        %dma_wait3A_130 = tpu.memref_squeeze %dma_wait3A_129 : memref<1x16384xf32, #tpu.memory_space<vmem>> -> memref<16384xf32, #tpu.memory_space<vmem>>
        %dma_wait3A_131 = tpu.memref_slice %arg4[%add3A_93] : memref<16777216xf32, #tpu.memory_space<hbm>> -> memref<16384xf32, #tpu.memory_space<hbm>>
        %dma_wait3A_132 = tpu.memref_slice %arg4[%add3A_93] : memref<16777216xf32, #tpu.memory_space<hbm>> -> memref<16384xf32, #tpu.memory_space<hbm>>
        %dma_wait3A_133 = arith.constant 0 : i32
        %dma_wait3A_134 = tpu.memref_slice %arg6[%dma_wait3A_127, %dma_wait3A_133] : memref<2x16384xf32, #tpu.memory_space<vmem>> -> memref<1x16384xf32, #tpu.memory_space<vmem>>
        %dma_wait3A_135 = tpu.memref_squeeze %dma_wait3A_134 : memref<1x16384xf32, #tpu.memory_space<vmem>> -> memref<16384xf32, #tpu.memory_space<vmem>>
        tpu.wait_dma2 semaphore(%arg12 : memref<!tpu.dma_semaphore, #tpu.memory_space<semaphore_mem>>) src(%dma_wait3A_135 : memref<16384xf32, #tpu.memory_space<vmem>>) dst(%dma_wait3A_132 : memref<16384xf32, #tpu.memory_space<hbm>>)
      } else {
      }
      %parallel_loop3A_108 = arith.constant 0 : i32
      %parallel_loop3A_109 = arith.constant 1024 : i32
      %parallel_loop3A_110 = arith.constant 1 : i32
      scf.for %parallel_loop3A_127 = %parallel_loop3A_108 to %parallel_loop3A_109 step %parallel_loop3A_110  : i32 {
        %parallel_loop3A_128 = arith.constant 16 : i32
        %parallel_loop3A_129 = arith.muli %parallel_loop3A_127, %parallel_loop3A_128 : i32
        %parallel_loop3A_130 = arith.constant 1 : i32
        %parallel_loop3A_131 = arith.index_cast %parallel_loop3A_130 : i32 to index
        %parallel_loop3A_132 = arith.index_cast %parallel_loop3A_129 : i32 to index
        %parallel_loop3A_133 = tpu.vector_load %arg5[%parallel_loop3A_131, %parallel_loop3A_132] {strides = array<i32>} : memref<2x16384xf32, #tpu.memory_space<vmem>>, vector<16xf32>,
        %parallel_loop3A_134 = arith.constant 0.000000e+00 : f32
        %parallel_loop3A_135 = vector.broadcast %parallel_loop3A_134 : f32 to vector<16xf32>
        %parallel_loop3A_136 = arith.maximumf %parallel_loop3A_133, %parallel_loop3A_135 : vector<16xf32>
        %parallel_loop3A_137 = arith.constant 3.200000e-01 : f32
        %parallel_loop3A_138 = vector.broadcast %parallel_loop3A_137 : f32 to vector<16xf32>
        %parallel_loop3A_139 = arith.mulf %parallel_loop3A_136, %parallel_loop3A_138 : vector<16xf32>
        %parallel_loop3A_140 = arith.fptosi %parallel_loop3A_139 : vector<16xf32> to vector<16xi32>
        %parallel_loop3A_141 = arith.constant 0 : i32
        %parallel_loop3A_142 = vector.broadcast %parallel_loop3A_141 : i32 to vector<16xi32>
        %parallel_loop3A_143 = arith.cmpi slt, %parallel_loop3A_140, %parallel_loop3A_142 : vector<16xi32>
        %parallel_loop3A_144 = arith.constant 16 : i32
        %parallel_loop3A_145 = vector.broadcast %parallel_loop3A_144 : i32 to vector<16xi32>
        %parallel_loop3A_146 = arith.addi %parallel_loop3A_140, %parallel_loop3A_145 : vector<16xi32>
        %parallel_loop3A_147 = arith.select %parallel_loop3A_143, %parallel_loop3A_146, %parallel_loop3A_140 : vector<16xi1>, vector<16xi32>
        %parallel_loop3A_148 = vector.shape_cast %parallel_loop3A_147 : vector<16xi32> to vector<16x1xi32>
        %parallel_loop3A_149 = vector.shape_cast %parallel_loop3A_148 : vector<16x1xi32> to vector<16xi32>
        %parallel_loop3A_150 = tpu.dynamic_gather %get3A_3[%parallel_loop3A_149] in [0] : vector<16xf32>, vector<16xi32> -> vector<16xf32>
        %parallel_loop3A_151 = tpu.vector_load_idx %arg8[%parallel_loop3A_140] : memref<16xf32, #tpu.memory_space<vmem>>[vector<16xi32>], vector<16xf32>,
        %parallel_loop3A_152 = arith.mulf %parallel_loop3A_151, %parallel_loop3A_136 : vector<16xf32>
        %parallel_loop3A_153 = arith.addf %parallel_loop3A_150, %parallel_loop3A_152 : vector<16xf32>
        %parallel_loop3A_154 = arith.constant 16 : i32
        %parallel_loop3A_155 = arith.muli %parallel_loop3A_127, %parallel_loop3A_154 : i32
        %parallel_loop3A_156 = arith.constant 1 : i32
        %parallel_loop3A_157 = arith.index_cast %parallel_loop3A_156 : i32 to index
        %parallel_loop3A_158 = arith.index_cast %parallel_loop3A_155 : i32 to index
        %parallel_loop3A_159 = tpu.vector_load %arg6[%parallel_loop3A_157, %parallel_loop3A_158] {strides = array<i32>} : memref<2x16384xf32, #tpu.memory_space<vmem>>, vector<16xf32>,
        tpu.vector_store %arg6[%parallel_loop3A_157, %parallel_loop3A_158], %parallel_loop3A_153 {strides = array<i32>} : memref<2x16384xf32, #tpu.memory_space<vmem>>, vector<16xf32>,
      } {sc.loop_unroll_factor = 16 : i64, sc.parallel_access}
      %dma_start3A_111 = arith.constant 1 : i32
      %dma_start3A_112 = arith.constant 0 : i32
      %dma_start3A_113 = tpu.memref_slice %arg6[%dma_start3A_111, %dma_start3A_112] : memref<2x16384xf32, #tpu.memory_space<vmem>> -> memref<1x16384xf32, #tpu.memory_space<vmem>>
      %dma_start3A_114 = tpu.memref_squeeze %dma_start3A_113 : memref<1x16384xf32, #tpu.memory_space<vmem>> -> memref<16384xf32, #tpu.memory_space<vmem>>
      %dma_start3A_115 = tpu.memref_slice %arg4[%add3A_93] : memref<16777216xf32, #tpu.memory_space<hbm>> -> memref<16384xf32, #tpu.memory_space<hbm>>
      %dma_start3A_116 = tpu.memref_slice %arg4[%add3A_93] : memref<16777216xf32, #tpu.memory_space<hbm>> -> memref<16384xf32, #tpu.memory_space<hbm>>
      %dma_start3A_117 = arith.constant 0 : i32
      %dma_start3A_118 = tpu.memref_slice %arg6[%dma_start3A_111, %dma_start3A_117] : memref<2x16384xf32, #tpu.memory_space<vmem>> -> memref<1x16384xf32, #tpu.memory_space<vmem>>
      %dma_start3A_119 = tpu.memref_squeeze %dma_start3A_118 : memref<1x16384xf32, #tpu.memory_space<vmem>> -> memref<16384xf32, #tpu.memory_space<vmem>>
      tpu.enqueue_dma source(%dma_start3A_119 : memref<16384xf32, #tpu.memory_space<vmem>>) target(%dma_start3A_116 : memref<16384xf32, #tpu.memory_space<hbm>>) target_semaphore(%arg12 : memref<!tpu.dma_semaphore, #tpu.memory_space<semaphore_mem>>)
      %add3A_120 = arith.constant 2 : i32
      %add3A_121 = arith.addi %add3A_90, %add3A_120 : i32
      %lt3A_122 = arith.constant 32 : i32
      %lt3A_123 = arith.cmpi slt, %add3A_121, %lt3A_122 : i32
      %convert_element_type3A_124 = arith.extui %lt3A_123 : i1 to i32
      %cond3A_125 = arith.constant 0 : i32
      %cond3A_126 = arith.cmpi ne, %convert_element_type3A_124, %cond3A_125 : i32
      scf.if %cond3A_126 {
        %add3A_127 = arith.constant 32768 : i32
        %add3A_128 = arith.addi %add3A_93, %add3A_127 : i32
        %dma_start3A_129 = arith.constant 1 : i32
        %dma_start3A_130 = arith.constant 0 : i32
        %dma_start3A_131 = tpu.memref_slice %arg5[%dma_start3A_129, %dma_start3A_130] : memref<2x16384xf32, #tpu.memory_space<vmem>> -> memref<1x16384xf32, #tpu.memory_space<vmem>>
        %dma_start3A_132 = tpu.memref_squeeze %dma_start3A_131 : memref<1x16384xf32, #tpu.memory_space<vmem>> -> memref<16384xf32, #tpu.memory_space<vmem>>
        %dma_start3A_133 = tpu.memref_slice %arg2[%add3A_128] : memref<16777216xf32, #tpu.memory_space<hbm>> -> memref<16384xf32, #tpu.memory_space<hbm>>
        %dma_start3A_134 = arith.constant 0 : i32
        %dma_start3A_135 = tpu.memref_slice %arg5[%dma_start3A_129, %dma_start3A_134] : memref<2x16384xf32, #tpu.memory_space<vmem>> -> memref<1x16384xf32, #tpu.memory_space<vmem>>
        %dma_start3A_136 = tpu.memref_squeeze %dma_start3A_135 : memref<1x16384xf32, #tpu.memory_space<vmem>> -> memref<16384xf32, #tpu.memory_space<vmem>>
        %dma_start3A_137 = tpu.memref_slice %arg2[%add3A_128] : memref<16777216xf32, #tpu.memory_space<hbm>> -> memref<16384xf32, #tpu.memory_space<hbm>>
        tpu.enqueue_dma source(%dma_start3A_137 : memref<16384xf32, #tpu.memory_space<hbm>>) target(%dma_start3A_136 : memref<16384xf32, #tpu.memory_space<vmem>>) target_semaphore(%arg10 : memref<!tpu.dma_semaphore, #tpu.memory_space<semaphore_mem>>)
      } else {
      }
    }
    %scan3A_29 = arith.constant 16 : i32
    %add3A_30 = arith.constant 491520 : i32
    %add3A_31 = arith.addi %mul3A_2, %add3A_30 : i32
    %dma_wait3A = arith.constant 0 : i32
    %dma_wait3A_32 = arith.constant 0 : i32
    %dma_wait3A_33 = tpu.memref_slice %arg6[%dma_wait3A, %dma_wait3A_32] : memref<2x16384xf32, #tpu.memory_space<vmem>> -> memref<1x16384xf32, #tpu.memory_space<vmem>>
    %dma_wait3A_34 = tpu.memref_squeeze %dma_wait3A_33 : memref<1x16384xf32, #tpu.memory_space<vmem>> -> memref<16384xf32, #tpu.memory_space<vmem>>
    %dma_wait3A_35 = tpu.memref_slice %arg4[%add3A_31] : memref<16777216xf32, #tpu.memory_space<hbm>> -> memref<16384xf32, #tpu.memory_space<hbm>>
    %dma_wait3A_36 = tpu.memref_slice %arg4[%add3A_31] : memref<16777216xf32, #tpu.memory_space<hbm>> -> memref<16384xf32, #tpu.memory_space<hbm>>
    %dma_wait3A_37 = arith.constant 0 : i32
    %dma_wait3A_38 = tpu.memref_slice %arg6[%dma_wait3A, %dma_wait3A_37] : memref<2x16384xf32, #tpu.memory_space<vmem>> -> memref<1x16384xf32, #tpu.memory_space<vmem>>
    %dma_wait3A_39 = tpu.memref_squeeze %dma_wait3A_38 : memref<1x16384xf32, #tpu.memory_space<vmem>> -> memref<16384xf32, #tpu.memory_space<vmem>>
    tpu.wait_dma2 semaphore(%arg11 : memref<!tpu.dma_semaphore, #tpu.memory_space<semaphore_mem>>) src(%dma_wait3A_39 : memref<16384xf32, #tpu.memory_space<vmem>>) dst(%dma_wait3A_36 : memref<16384xf32, #tpu.memory_space<hbm>>)
    %add3A_40 = arith.constant 507904 : i32
    %add3A_41 = arith.addi %mul3A_2, %add3A_40 : i32
    %dma_wait3A_42 = arith.constant 1 : i32
    %dma_wait3A_43 = arith.constant 0 : i32
    %dma_wait3A_44 = tpu.memref_slice %arg6[%dma_wait3A_42, %dma_wait3A_43] : memref<2x16384xf32, #tpu.memory_space<vmem>> -> memref<1x16384xf32, #tpu.memory_space<vmem>>
    %dma_wait3A_45 = tpu.memref_squeeze %dma_wait3A_44 : memref<1x16384xf32, #tpu.memory_space<vmem>> -> memref<16384xf32, #tpu.memory_space<vmem>>
    %dma_wait3A_46 = tpu.memref_slice %arg4[%add3A_41] : memref<16777216xf32, #tpu.memory_space<hbm>> -> memref<16384xf32, #tpu.memory_space<hbm>>
    %dma_wait3A_47 = tpu.memref_slice %arg4[%add3A_41] : memref<16777216xf32, #tpu.memory_space<hbm>> -> memref<16384xf32, #tpu.memory_space<hbm>>
    %dma_wait3A_48 = arith.constant 0 : i32
    %dma_wait3A_49 = tpu.memref_slice %arg6[%dma_wait3A_42, %dma_wait3A_48] : memref<2x16384xf32, #tpu.memory_space<vmem>> -> memref<1x16384xf32, #tpu.memory_space<vmem>>
    %dma_wait3A_50 = tpu.memref_squeeze %dma_wait3A_49 : memref<1x16384xf32, #tpu.memory_space<vmem>> -> memref<16384xf32, #tpu.memory_space<vmem>>
    tpu.wait_dma2 semaphore(%arg12 : memref<!tpu.dma_semaphore, #tpu.memory_space<semaphore_mem>>) src(%dma_wait3A_50 : memref<16384xf32, #tpu.memory_space<vmem>>) dst(%dma_wait3A_47 : memref<16384xf32, #tpu.memory_space<hbm>>)
    return
  }
}

</mosaic_0001>

<sc_bundles>
// kernel: kernel.3.cloned.1.call-start
scs
__scs_entry_jumppad:
0x0: {  	(pc) =	sbr.rel $0x88, $3  }
0x1: {  	(tag) =	ssettag $0x0;
	lr =	simm.s32 $0x1  }
0x2: {  	[smem:$0x3F9F] =	sst lr;
	_ =	strace $0xD0000000  }
0x3: {  	_ = 	snop  }
0x4: {  	_ = 	snop  }
0x5: {  	_ = 	snop  }
0x6: {  	_ = 	snop  }
0x7: {  	_ = 	snop  }
__scs_overlays_trampoline_lowered:
0x8: {  	[smem:$0x3FAE] =	sst s0  }
0x9: {  	[smem:$0x3FAF] =	sst s1  }
0xa: {  	[smem:$0x3FB0] =	sst s2  }
0xb: {  	[smem:$0x3FB1] =	sst s3  }
0xc: {  	[smem:$0x3FB2] =	sst s4  }
0xd: {  	[smem:$0x3FB3] =	sst s5  }
0xe: {  	[smem:$0x3FB4] =	sst s6  }
0xf: {  	[smem:$0x3FB5] =	sst s7  }
0x10: {  	[smem:$0x3FB6] =	sst s8  }
0x11: {  	[smem:$0x3FB7] =	sst s9;
	s0 =	simm.s32 @!p0 $0x0  }
0x12: {  	s1 =	sld [smem:$0x3F9D];
	s0 =	simm.s32 @p0 $0x1  }
0x13: {  	[smem:$0x3FB8] =	sst s0;
	s0 =	simm.s32 @!p1 $0x0  }
0x14: {  	s2 =	sld [smem:$0x3F9C];
	s0 =	simm.s32 @p1 $0x1  }
0x15: {  	[smem:$0x3FB9] =	sst s0;
	s0 =	simm.s32 @!p2 $0x0  }
0x16: {  	s3 =	sld [smem:$0x3FDB];
	s0 =	simm.s32 @p2 $0x1  }
0x17: {  	s4 =	simm.s32 $0x1BF5;
	[smem:$0x3FBB] =	sst s0  }
0x18: {  	s0 =	sld [smem:$0x3F9E];
	_ =	swait.ge [sflag:s4], $0x0  }
0x19: {  	s7 =	sld [smem:$0x3F9F]  }
0x1a: {  	s8 =	sadd.s32 $0xFFFFE003, lr  }
0x1b: {  	s9 =	sadd.s32 $0xFFFFFEF7, lr;
	s5 =	simm.s32 $0xFFFFFFFF;
	p2 =	slt.u32 s8, $0xFFFFF086  }
0x1c: {  	p1 =	slt.u32 s9, $0xF7A;
	s5 =	simm.s32 @!p2 $0x0  }
0x1d: {  	s5 =	simm.s32 @p1 $0x1;
	p0 =	seq.s32 s7, s2  }
0x1e: {  	s7 =	smul.u32 @!p0 $0xF7A, s2;
	p2 =	seq.s32 @!p0 s5, $0x0  }
0x1f: {  	s9 =	smul.u32 $0xF7A, s1;
	s8 =	simm.s32 @!p0 $0x1BF5;
	p2 =	por !p2, p0  }
0x20: {  	[sflag:s8] =	ssyncset.s32 @!p0 $0xFFFFF086;
	s6 =	sadd.s32 @!p0 s3, s7;
	s7 =	simm.s32 @!p0 $0x108  }
0x21: {  	s3 =	sadd.s32 s3, s9;
	s6 =	sadd.s32 @!p0 $0x88, s6;
	s7 =	simm.s32 @p2 $0x1082  }
0x22: {  	[simem:s7], [sflag:s8] =	dma.local @!p0 [hbm:s6], $0xF7A  }
0x23: {  	s9 =	sor.u32 $0xD0000000, s2;
	s6 =	simm.s32 $0x108;
	_ =	swait.ge @!p0 [sflag:s8], $0x0  }
0x24: {  	s3 =	sadd.s32 $0x88, s3;
	s6 =	simm.s32 @!p1 $0x1082;
	[sflag:s4] =	ssyncset.s32 $0xFFFFF086  }
0x25: {  	[simem:s6], [sflag:s4] =	dma.local [hbm:s3], $0xF7A  }
0x26: {  	[smem:$0x3F9F] =	sst s1;
	(tag) =	ssettag s2;
	_ =	strace s9  }
0x27: {  	s1 =	sld [smem:$0x3FAF]  }
0x28: {  	s2 =	sld [smem:$0x3FB0]  }
0x29: {  	s4 =	sld [smem:$0x3FB2]  }
0x2a: {  	p0 =	seq.s32 s5, $0x0;
	s5 =	sld [smem:$0x3FB3]  }
0x2b: {  	s6 =	sld [smem:$0x3FB4]  }
0x2c: {  	s7 =	sld [smem:$0x3FB5]  }
0x2d: {  	s3 =	simm.s32 $0x108;
	s8 =	sld [smem:$0x3FB6]  }
0x2e: {  	s3 =	simm.s32 @!p0 $0x1082;
	s9 =	sld [smem:$0x3FB7]  }
0x2f: {  	lr =	sadd.s32 s0, s3;
	s0 =	sld [smem:$0x3FAE]  }
0x30: {  	s3 =	sld [smem:$0x3FB1]  }
0x31: {  	[smem:$0x3FBA] =	sst s10  }
0x32: {  	s10 =	sld [smem:$0x3FB8];
	_ =	sdelay $0x3  }
0x33: {  	p0 =	seq.s32 s10, $0x1;
	s10 =	sld [smem:$0x3FBA];
	_ =	sdelay $0x3  }
0x34: {  	[smem:$0x3FBA] =	sst s10  }
0x35: {  	s10 =	sld [smem:$0x3FB9];
	_ =	sdelay $0x3  }
0x36: {  	p1 =	seq.s32 s10, $0x1;
	s10 =	sld [smem:$0x3FBA];
	_ =	sdelay $0x3  }
0x37: {  	[smem:$0x3FBA] =	sst s10  }
0x38: {  	s10 =	sld [smem:$0x3FBB]  }
0x39: {  	_ = 	snop;
	(pc) =	sbr.ind lr, $3  }
0x3a: {  	_ = 	snop  }
0x3b: {  	_ = 	snop  }
0x3c: {  	p2 =	seq.s32 s10, $0x1;
	s10 =	sld [smem:$0x3FBA]  }
0x3d: {  	_ =	shalt  }
0x3e: {  	_ =	shalt  }
0x3f: {  	_ =	shalt  }
0x40: {  	_ =	shalt  }
0x41: {  	_ =	shalt  }
0x42: {  	_ =	shalt  }
0x43: {  	_ =	shalt  }
0x44: {  	_ =	shalt  }
0x45: {  	_ =	shalt  }
0x46: {  	_ =	shalt  }
0x47: {  	_ =	shalt  }
0x48: {  	_ =	shalt  }
0x49: {  	_ =	shalt  }
0x4a: {  	_ =	shalt  }
0x4b: {  	_ =	shalt  }
0x4c: {  	_ =	shalt  }
0x4d: {  	_ =	shalt  }
0x4e: {  	_ =	shalt  }
0x4f: {  	_ =	shalt  }
0x50: {  	_ =	shalt  }
0x51: {  	_ =	shalt  }
0x52: {  	_ =	shalt  }
0x53: {  	_ =	shalt  }
0x54: {  	_ =	shalt  }
0x55: {  	_ =	shalt  }
0x56: {  	_ =	shalt  }
0x57: {  	_ =	shalt  }
0x58: {  	_ =	shalt  }
0x59: {  	_ =	shalt  }
0x5a: {  	_ =	shalt  }
0x5b: {  	_ =	shalt  }
0x5c: {  	_ =	shalt  }
0x5d: {  	_ =	shalt  }
0x5e: {  	_ =	shalt  }
0x5f: {  	_ =	shalt  }
0x60: {  	_ =	shalt  }
0x61: {  	_ =	shalt  }
0x62: {  	_ =	shalt  }
0x63: {  	_ =	shalt  }
0x64: {  	_ =	shalt  }
0x65: {  	_ =	shalt  }
0x66: {  	_ =	shalt  }
0x67: {  	_ =	shalt  }
0x68: {  	_ =	shalt  }
0x69: {  	_ =	shalt  }
0x6a: {  	_ =	shalt  }
0x6b: {  	_ =	shalt  }
0x6c: {  	_ =	shalt  }
0x6d: {  	_ =	shalt  }
0x6e: {  	_ =	shalt  }
0x6f: {  	_ =	shalt  }
0x70: {  	_ =	shalt  }
0x71: {  	_ =	shalt  }
0x72: {  	_ =	shalt  }
0x73: {  	_ =	shalt  }
0x74: {  	_ =	shalt  }
0x75: {  	_ =	shalt  }
0x76: {  	_ =	shalt  }
0x77: {  	_ =	shalt  }
0x78: {  	_ =	shalt  }
0x79: {  	_ =	shalt  }
0x7a: {  	_ =	shalt  }
0x7b: {  	_ =	shalt  }
0x7c: {  	_ =	shalt  }
0x7d: {  	_ =	shalt  }
0x7e: {  	_ =	shalt  }
0x7f: {  	_ =	shalt  }
0x80: {  	_ =	shalt  }
0x81: {  	_ =	shalt  }
0x82: {  	_ =	shalt  }
0x83: {  	_ =	shalt  }
0x84: {  	_ =	shalt  }
0x85: {  	_ =	shalt  }
0x86: {  	_ =	shalt  }
0x87: {  	_ =	shalt  }
.Lfunc_end0:
.L_simem_size_0:
called_computation_lowered:
.L_overlay_start_0:
0x88: {  	s2 =	sld [smem:$0x3FD9]  }
0x89: {  	s3 =	sld [smem:$0x3FFE];
	_ =	sdelay $0x1  }
0x8a: {  	s1 =	srdreg.scid  }
0x8b: {  	s0 =	sand.u32 $0x1, s1  }
0x8c: {  	s17 =	sshll.u32 s0, $0xA;
	s2 =	sadd.s32 s3, s2  }
0x8d: {  	s2 =	sadd.s32 s2, s17  }
0x8e: {  	[smem:$0x3FC6] =	sst s2  }
0x8f: {  	_ = 	snop  }
0x90: {  	s2 =	sld [smem:$0x3FC9]  }
0x91: {  	s18 =	sld [smem:$0x3FD0];
	(tm) =	ssettm $0x1  }
0x92: {  	s4 =	sld [smem:$0x3FFB];
	_ =	sdelay $0x3  }
0x93: {  	_ =	strace s4  }
0x94: {  	s4 =	sld [smem:$0x3FFC];
	_ =	sdelay $0x3  }
0x95: {  	_ =	strace s4  }
0x96: {  	s4 =	sld [smem:$0x3FFD];
	_ =	sdelay $0x3  }
0x97: {  	_ =	strace s4  }
0x98: {  	_ =	strace $0x8FFFFFFF  }
0x99: {  	s19 =	sld [smem:$0x3FDB];
	_ =	sdelay $0x1  }
0x9a: {  	s5 =	simm.s32 $_scs_section_size  }
0x9b: {  	s6 =	simm.s32 $_size__tile_overlayer_lowered;
	s7 =	simm.s32 $_tile_overlayer_lowered  }
0x9c: {  	s22 =	simm.s32 $0x1BFF;
	s21 =	sshll.u32 s7, $0x1;
	s4 =	sadd.s32 s5, s19  }
0x9d: {  	s8 =	simm.s32 $0x0;
	s20 =	sshll.u32 s6, $0x1;
	s6 =	sadd.s32 s21, s4  }
0x9e: {  	[timem:s8], [sflag:s22] =	dma.local [hbm:s6], s20  }
0x9f: {  	_ =	swait.ge [sflag:s22], s20  }
0xa0: {  	s5 =	ssub.s32 $0x0, s20;
	[sflag:s22] =	ssyncset.done $0x0  }
0xa1: {  	[sflag:s22] =	ssyncadd.s32 s5;
	_ =	sdelay $0x1  }
0xa2: {  	s23 =	simm.s32 $0x1B8B  }
0xa3: {  	_ =	swait.ge [sflag:s23], $0x1  }
0xa4: {  	[sflag:s23] =	ssyncset.done $0x0  }
0xa5: {  	s25 =	simm.s32 $0x1B8E;
	s24 =	sld [smem:$0x3FFE];
	[sflag:s23] =	ssyncadd.s32 $0xFFFFFFFF  }
0xa6: {  	s26 =	simm.s32 $execute0_lowered;
	[smem:$0x3FD2] =	sst s25  }
0xa7: {  	s6 =	sshll.u32 s26, $0x1;
	_ =	strace $0x80000046;
	[dreg:$0x1] =	wrdreg $0xFFFFFFFF  }
0xa8: {  	s28 =	simm.s32 $_size_execute0_lowered;
	s4 =	sadd.s32 s4, s6;
	[dreg:$0x0] =	wrdreg $0x0  }
0xa9: {  	s6 =	sshll.u32 s28, $0x1;
	[dreg:$0x2] =	wrdreg s4  }
0xaa: {  	[dreg:$0x3] =	wrdreg s6  }
0xab: {  	[dreg:$0x4] =	wrdreg $0xC0  }
0xac: {  	_ =	task [dreg:s8], $0x5FFFF  }
0xad: {  	[dreg:$0x1] =	wrdreg $0xFFFFFFFF  }
0xae: {  	[dreg:$0x0] =	wrdreg $0x60  }
0xaf: {  	[dreg:$0x2] =	wrdreg s2  }
0xb0: {  	[dreg:$0x3] =	wrdreg s24  }
0xb1: {  	[dreg:$0x4] =	wrdreg s18  }
0xb2: {  	[dreg:$0x5] =	wrdreg $0x9  }
0xb3: {  	_ =	task.clear_ibuf [dreg:s8], $0x6FFFF;
	_ =	strace $0x90000046  }
0xb4: {  	s29 =	simm.s32 $0x9;
	_ =	strace $0x80000048  }
0xb5: {  	_ =	swait.ge [sflag:s29], $0x1  }
0xb6: {  	[sflag:s29] =	ssyncadd.s32 $0xFFFFFFFF  }
0xb7: {  	_ =	strace $0x90000048  }
0xb8: {  	_ =	sfence  }
0xb9: {  	s30 =	sld [smem:$0x0];
	_ =	sdelay $0x2  }
0xba: {  	s31 =	sshll.u32 s1, $0xD;
	s1 =	sshrl.u32 s1, $0x2  }
0xbb: {  	s3 =	sand.u32 $0x4000, s31;
	s1 =	sadd.s32 s1, s30  }
0xbc: {  	s0 =	sor.u32 s3, s0;
	s1 =	sshll.u32 s1, $0x11  }
0xbd: {  	s0 =	sor.u32 s1, s0  }
0xbe: {  	s0 =	sadd.s32 $0x8F2B, s0  }
0xbf: {  	[sflag:s0] =	ssyncadd.remote.s32 $0x1  }
0xc0: {  	_ =	sfence.sel $0xFFFF  }
0xc1: {  	[dreg:$0x0] =	wrdreg $0xFFFFFFFF;
	(pc) =	sbr.abs _section_cstart, $3  }
0xc2: {  	[dreg:$0x1] =	wrdreg $0xFFFFFFFF  }
0xc3: {  	_ =	task.clear_ibuf [dreg:s8], $0x2FFFF;
	_ =	strace $0x9FFFFFFF  }
0xc4: {  	(tm) =	ssettm $0x7FFFFFFF  }
0xc5: {  	_ =	shalt  }
tec
execute0_lowered:
.L_overlay_start_1:
0x0: {  	(tag) =	ssettag $0x1  }
0x1: {  	s1 =	rddreg [dreg:$0x0]  }
0x2: {  	s8 =	rddreg [dreg:$0x1]  }
0x3: {  	s3 =	rddreg [dreg:$0x2];
	s4 =	srdreg.scid  }
0x4: {  	s0 =	rddreg [dreg:$0x3];
	s2 =	stileid.u32;
	s11 =	simm.s32 $0x10000  }
0x5: {  	s12 =	simm.s32 $0x5;
	s13 =	simm.s32 $0x10080;
	s14 =	simm.s32 $0x1  }
0x6: {  	s15 =	simm.s32 $0x2;
	s16 =	simm.s32 $0x4;
	s17 =	simm.s32 $0x3  }
0x7: {  	s18 =	simm.s32 $0x0;
	s6 =	sand.u32 $0x1, s4;
	s4 =	simm.s32 $0x0  }
.Ltmp0:
0x8: {  	s5 =	sshll.u32 s2, $0x14;
	s7 =	sshll.u32 s6, $0x13;
	(pc) =	sbr.rel .LBB2_1-.Ltmp0, $4  }
0x9: {  	[smem:$0x7FF] =	sst s4;
	s9 =	ssub.s32 $0x2, s6;
	s5 =	sor.u32 s7, s5  }
0xa: {  	s6 =	sadd.s32 $0x400, s8;
	s10 =	sshrl.u32 s9, $0x1;
	s7 =	sshrl.u32 s5, $0x3  }
0xb: {  	s8 =	sadd.s32 $0x402, s8;
	s10 =	ssub.s32 s9, s10;
	s7 =	sadd.s32 s1, s7  }
0xc: {  	_ =	strace $0x80000047;
	s10 =	smax.u32 s10, $0x1;
	s9 =	sadd.s32 $0x800, s7  }
.LBB2_24:
0xd: {  	s18 =	sadd.s32 $0x1, s18  }
0xe: {  	_ =	swait.ge [sflag:s17], $0x4000;
	p0 =	sne.s32 s18, s10  }
.Ltmp1:
0xf: {  	[sflag:s17] =	ssyncset.done $0x0;
	(pc) =	sbr.rel @!p0 .LBB2_25-.Ltmp1, $4  }
0x10: {  	[sflag:s17] =	ssyncadd.s32 $0xFFFFC000  }
0x11: {  	_ =	swait.ge [sflag:s16], $0x4000  }
0x12: {  	[sflag:s16] =	ssyncset.done $0x0  }
0x13: {  	[sflag:s16] =	ssyncadd.s32 $0xFFFFC000  }
.LBB2_1:
0x14: {  	[tilespmem:s11], [sflag:$0x5] =	stream.linear.gather [hbm4b:s6+s4], $0x10, $0x38;
	[tilespmem:$0x10100] =	vst v63  }
0x15: {  	_ =	swait.ge [sflag:s12], $0x10  }
0x16: {  	[sflag:s12] =	ssyncset.done $0x0  }
0x17: {  	[sflag:s12] =	ssyncadd.s32 $0xFFFFFFF0  }
0x18: {  	[tilespmem:s13], [sflag:$0x5] =	stream.linear.gather [hbm4b:s8+s4], $0x10, $0x38;
	[tilespmem:$0x10100] =	vst v63  }
0x19: {  	_ =	swait.ge [sflag:s12], $0x10  }
0x1a: {  	[sflag:s12] =	ssyncset.done $0x0  }
0x1b: {  	[sflag:s12] =	ssyncadd.s32 $0xFFFFFFF0  }
0x1c: {  	v0 =	vld [tilespmem:$0x10000];
	_ =	sdelay $0x2  }
0x1d: {  	s19 =	simm.s32 $0x10  }
0x1e: {  	s22 =	sadd.s32 $0x0, s7;
	s20 =	simm.s32 $0x100;
	s21 =	simm.s32 $0x0  }
.LBB2_2:
0x1f: {  	[tilespmem:s21], [sflag:$0x1] =	stream.linear.gather [hbm4b:s22+s4], $0x80, $0x38;
	[tilespmem:$0x10100] =	vst v63  }
0x20: {  	s22 =	smov.u32 s19;
	s21 =	smov.u32 s20;
	p0 =	sne.s32 s19, $0x7F0  }
.Ltmp2:
0x21: {  	s19 =	sadd.s32 $0x10, s19;
	(pc) =	sbr.rel @p0 .LBB2_2-.Ltmp2, $2  }
0x22: {  	_ =	sdelay $0x2  }
0x23: {  	s20 =	sadd.s32 $0x100, s20;
	s22 =	sadd.s32 s22, s7  }
0x24: {  	[tilespmem:s21], [sflag:$0x1] =	stream.linear.gather [hbm4b:s22+s4], $0x80, $0x38;
	[tilespmem:$0x10100] =	vst v63  }
0x25: {  	s19 =	simm.s32 $0x0;
	s20 =	simm.s32 $0x80  }
0x26: {  	s21 =	simm.s32 $0x10;
	s23 =	sadd.s32 $0x0, s9;
	s22 =	simm.s32 $0x180  }
.LBB2_4:
0x27: {  	[tilespmem:s20], [sflag:$0x2] =	stream.linear.gather [hbm4b:s23+s19], $0x80, $0x38;
	[tilespmem:$0x10100] =	vst v63  }
0x28: {  	s23 =	smov.u32 s21;
	s20 =	smov.u32 s22;
	p0 =	sne.s32 s21, $0x7F0  }
.Ltmp3:
0x29: {  	s21 =	sadd.s32 $0x10, s21;
	(pc) =	sbr.rel @p0 .LBB2_4-.Ltmp3, $2  }
0x2a: {  	_ =	sdelay $0x2  }
0x2b: {  	s22 =	sadd.s32 $0x100, s22;
	s23 =	sadd.s32 s23, s9  }
0x2c: {  	[tilespmem:s20], [sflag:$0x2] =	stream.linear.gather [hbm4b:s23+s19], $0x80, $0x38;
	[tilespmem:$0x10100] =	vst v63  }
.LBB2_6:
0x2d: {  	_ =	swait.ge [sflag:s14], $0x4000  }
0x2e: {  	p0 =	seq.s32 s19, $0x0;
	[sflag:s14] =	ssyncset.done $0x0  }
0x2f: {  	s20 =	simm.s32 @!p0 $0x3;
	[sflag:s14] =	ssyncadd.s32 $0xFFFFC000  }
0x30: {  	_ =	swait.ge @!p0 [sflag:s20], $0x4000  }
0x31: {  	[sflag:s20] =	ssyncset.done @!p0 $0x0  }
0x32: {  	s30 =	simm.s32 $0x100;
	[sflag:s20] =	ssyncadd.s32 @!p0 $0xFFFFC000  }
0x33: {  	v1 =	vld [tilespmem:s30+$0x70]  }
0x34: {  	v2 =	vld [tilespmem:s30+$0xFFFFFF10]  }
0x35: {  	v3 =	vld [tilespmem:s30+$0xFFFFFF20]  }
0x36: {  	v4 =	vld [tilespmem:s30+$0xFFFFFF30]  }
0x37: {  	v5 =	vld [tilespmem:s30+$0xFFFFFF40]  }
0x38: {  	v6 =	vld [tilespmem:s30+$0xFFFFFF50]  }
0x39: {  	v7 =	vld [tilespmem:s30+$0xFFFFFF60]  }
0x3a: {  	v10 =	vld [tilespmem:s30+$0xFFFFFF70]  }
0x3b: {  	v12 =	vld [tilespmem:s30+$0x0]  }
0x3c: {  	v14 =	vld [tilespmem:s30+$0x10]  }
0x3d: {  	v16 =	vld [tilespmem:s30+$0x20];
	v1 =	vmax.f32 v1, $0.0e+00;
	v2 =	vmax.f32 v2, $0.0e+00;
	v3 =	vmax.f32 v3, $0.0e+00  }
0x3e: {  	v19 =	vld [tilespmem:s30+$0x30];
	v4 =	vmax.f32 v4, $0.0e+00;
	v5 =	vmax.f32 v5, $0.0e+00;
	v6 =	vmax.f32 v6, $0.0e+00  }
0x3f: {  	v20 =	vld [tilespmem:s30+$0x40];
	v7 =	vmax.f32 v7, $0.0e+00;
	v10 =	vmax.f32 v10, $0.0e+00;
	v8 =	vmul.f32 $3.199999930e-01, v1  }
0x40: {  	v12 =	vmax.f32 v12, $0.0e+00;
	v9 =	vmul.f32 $3.199999930e-01, v2;
	v11 =	vmul.f32 $3.199999930e-01, v3  }
0x41: {  	v25 =	vmax.f32 v14, $0.0e+00;
	v13 =	vmul.f32 $3.199999930e-01, v4;
	v15 =	vmul.f32 $3.199999930e-01, v5  }
0x42: {  	v47 =	vmax.f32 v16, $0.0e+00;
	v17 =	vmul.f32 $3.199999930e-01, v6;
	v18 =	vmul.f32 $3.199999930e-01, v7  }
0x43: {  	v44 =	vmax.f32 v19, $0.0e+00;
	v21 =	vmul.f32 $3.199999930e-01, v10;
	v24 =	vmul.f32 $3.199999930e-01, v12  }
0x44: {  	v46 =	vmax.f32 v20, $0.0e+00;
	v26 =	vmul.f32 $3.199999930e-01, v25;
	v28 =	vmul.f32 $3.199999930e-01, v47  }
0x45: {  	v22 =	vld [tilespmem:s30+$0xFFFFFF00];
	v29 =	vmul.f32 $3.199999930e-01, v44;
	v30 =	vmul.f32 $3.199999930e-01, v46  }
0x46: {  	v23 =	vld [tilespmem:s30+$0x50];
	v8 =	vtrunc.f32 v8;
	v9 =	vtrunc.f32 v9  }
0x47: {  	v11 =	vtrunc.f32 v11;
	v13 =	vtrunc.f32 v13  }
0x48: {  	v15 =	vtrunc.f32 v15;
	v17 =	vtrunc.f32 v17  }
0x49: {  	v14 =	vtrunc.f32 v18;
	v27 =	vtrunc.f32 v21  }
0x4a: {  	v31 =	vmax.f32 v22, $0.0e+00;
	v24 =	vtrunc.f32 v24;
	v26 =	vtrunc.f32 v26  }
0x4b: {  	v21 =	vmax.f32 v23, $0.0e+00;
	v23 =	vtrunc.f32 v28;
	v28 =	vmul.f32 $3.199999930e-01, v31  }
0x4c: {  	v29 =	vtrunc.f32 v29;
	v8 =	vcvt.f32.s32 v8  }
0x4d: {  	v33 =	vmul.f32 $3.199999930e-01, v21;
	v9 =	vcvt.f32.s32 v9  }
0x4e: {  	v16 =	vld [tilespmem:s30+$0x60];
	v11 =	vcvt.f32.s32 v11;
	v58 =	vcvt.f32.s32 v13  }
0x4f: {  	v13 =	vtrunc.f32 v30;
	v15 =	vcvt.f32.s32 v15  }
0x50: {  	v17 =	vcvt.f32.s32 v17;
	v59 =	vcvt.f32.s32 v14  }
0x51: {  	v27 =	vcvt.f32.s32 v27;
	v24 =	vcvt.f32.s32 v24  }
0x52: {  	v26 =	vcvt.f32.s32 v26;
	v36 =	vcvt.f32.s32 v23  }
0x53: {  	v29 =	vcvt.f32.s32 v29;
	v22 =	vmax.f32 v16, $0.0e+00;
	v16 =	vtrunc.f32 v28;
	v32 =	vld.idx.msk [tilespmem:v8+s13+$0x0], $0xffff  }
0x54: {  	v28 =	vmul.f32 $3.199999930e-01, v22;
	v16 =	vcvt.f32.s32 v16;
	v34 =	vld.idx.msk [tilespmem:v9+s13+$0x0], $0xffff  }
0x55: {  	v37 =	vcvt.f32.s32 v13;
	v30 =	vtrunc.f32 v33;
	v23 =	vld.idx.msk [tilespmem:v11+s13+$0x0], $0xffff  }
0x56: {  	v39 =	vperm.xlane v0, v11;
	v28 =	vtrunc.f32 v28;
	v38 =	vld.idx.msk [tilespmem:v58+s13+$0x0], $0xffff  }
0x57: {  	v20 =	vperm.xlane v0, v15;
	v19 =	vcvt.f32.s32 v28;
	v28 =	vld.idx.msk [tilespmem:v15+s13+$0x0], $0xffff  }
0x58: {  	v18 =	vcvt.f32.s32 v30;
	v30 =	vperm.xlane v0, v9;
	v9 =	vld.idx.msk [tilespmem:v17+s13+$0x0], $0xffff  }
0x59: {  	v33 =	vperm.xlane v0, v59;
	v41 =	vperm.xlane v0, v24;
	v11 =	vld.idx.msk [tilespmem:v27+s13+$0x0], $0xffff  }
0x5a: {  	v8 =	vperm.xlane v0, v8;
	v17 =	vperm.xlane v0, v17;
	v35 =	vld.idx.msk [tilespmem:v16+s13+$0x0], $0xffff  }
0x5b: {  	s31 =	simm.s32 $0x300;
	v27 =	vperm.xlane v0, v27;
	v34 =	vmul.f32 v34, v2;
	v2 =	vld.idx.msk [tilespmem:v59+s13+$0x0], $0xffff  }
0x5c: {  	v16 =	vperm.xlane v0, v16;
	v38 =	vmul.f32 v38, v4;
	v4 =	vld [tilespmem:s31+$0x70]  }
0x5d: {  	v1 =	vmul.f32 v32, v1;
	v28 =	vmul.f32 v28, v5;
	v5 =	vld.idx.msk [tilespmem:v26+s13+$0x0], $0xffff  }
0x5e: {  	v32 =	vperm.xlane v0, v58;
	v40 =	vmul.f32 v9, v6;
	v6 =	vld [tilespmem:s31+$0xFFFFFF10]  }
0x5f: {  	v31 =	vmul.f32 v35, v31;
	v35 =	vmul.f32 v23, v3;
	v3 =	vld.idx.msk [tilespmem:v24+s13+$0x0], $0xffff  }
0x60: {  	v26 =	vperm.xlane v0, v26;
	v43 =	vmul.f32 v11, v10  }
0x61: {  	v23 =	vperm.xlane v0, v36;
	v42 =	vmul.f32 v2, v7;
	v2 =	vld [tilespmem:s31+$0xFFFFFF20]  }
0x62: {  	v7 =	vld [tilespmem:s31+$0xFFFFFF30];
	v15 =	vmax.f32 v4, $0.0e+00;
	v4 =	vperm.xlane v0, v29;
	v25 =	vmul.f32 v5, v25  }
0x63: {  	v5 =	vperm.xlane v0, v37;
	v48 =	vmax.f32 v6, $0.0e+00;
	v6 =	vperm.xlane v0, v18  }
0x64: {  	v45 =	vmul.f32 v3, v12;
	v3 =	vld [tilespmem:s31+$0xFFFFFF40];
	[tilespmem:$0x1FFD0] =	vst v4;
	v4 =	vmul.f32 $3.199999930e-01, v15  }
0x65: {  	v49 =	vadd.f32 v1, v8;
	v1 =	vperm.xlane v0, v19;
	v14 =	vadd.f32 v34, v30;
	v10 =	vld [tilespmem:s31+$0xFFFFFF50];
	[tilespmem:$0x1FFE0] =	vst v5  }
0x66: {  	s20 =	simm.s32 $0x8100;
	v16 =	vadd.f32 v31, v16;
	v5 =	vld [tilespmem:s31+$0xFFFFFF60];
	[tilespmem:$0x1FFF0] =	vst v6;
	v4 =	vtrunc.f32 v4;
	v6 =	vmul.f32 $3.199999930e-01, v48  }
0x67: {  	v8 =	vld [tilespmem:s31+$0xFFFFFF70];
	v50 =	vcvt.f32.s32 v4;
	v51 =	vmax.f32 v2, $0.0e+00;
	v24 =	vmax.f32 v7, $0.0e+00;
	[tilespmem:s20+$0xFFFFFF10] =	vst v14  }
0x68: {  	v2 =	vld [tilespmem:s31+$0x0];
	v14 =	vadd.f32 v35, v39;
	[tilespmem:s20+$0xFFFFFF00] =	vst v16;
	v16 =	vadd.f32 v38, v32;
	v4 =	vmul.f32 $3.199999930e-01, v51  }
0x69: {  	v18 =	vld.idx.msk [tilespmem:v18+s13+$0x0], $0xffff;
	v7 =	vmul.f32 $3.199999930e-01, v24;
	v52 =	vtrunc.f32 v6;
	v9 =	vmax.f32 v3, $0.0e+00  }
0x6a: {  	v19 =	vld.idx.msk [tilespmem:v19+s13+$0x0], $0xffff;
	v38 =	vcvt.f32.s32 v52;
	[tilespmem:s20+$0xFFFFFF20] =	vst v14;
	v14 =	vadd.f32 v28, v20;
	v6 =	vmul.f32 $3.199999930e-01, v9  }
0x6b: {  	v53 =	vld [tilespmem:s31+$0x20];
	v10 =	vmax.f32 v10, $0.0e+00;
	v54 =	vtrunc.f32 v4;
	v55 =	vtrunc.f32 v7  }
0x6c: {  	v20 =	vld.idx.msk [tilespmem:v36+s13+$0x0], $0xffff;
	v4 =	vmul.f32 $3.199999930e-01, v10;
	v11 =	vmax.f32 v5, $0.0e+00;
	v36 =	vcvt.f32.s32 v54  }
0x6d: {  	v13 =	vld [tilespmem:s31+$0x30];
	[tilespmem:s20+$0xFFFFFF30] =	vst v16;
	v16 =	vadd.f32 v40, v17;
	v40 =	vcvt.f32.s32 v55;
	v56 =	vmul.f32 $3.199999930e-01, v11  }
0x6e: {  	v3 =	vld [tilespmem:s31+$0x10];
	v7 =	vmax.f32 v8, $0.0e+00;
	v58 =	vtrunc.f32 v6;
	v21 =	vmul.f32 v18, v21  }
0x6f: {  	v57 =	vld [tilespmem:s31+$0x40];
	v6 =	vmax.f32 v2, $0.0e+00;
	v18 =	vmul.f32 v19, v22;
	v59 =	vmul.f32 $3.199999930e-01, v7  }
0x70: {  	v2 =	vmax.f32 v53, $0.0e+00;
	v60 =	vld.idx.msk [tilespmem:v50+s13+$0x0], $0xffff;
	v62 =	vtrunc.f32 v4;
	v4 =	vmul.f32 $3.199999930e-01, v6  }
0x71: {  	v25 =	vadd.f32 v25, v26;
	[tilespmem:s20+$0x70] =	vst v49;
	v53 =	vld [tilespmem:s31+$0xFFFFFF00];
	v12 =	vmul.f32 $3.199999930e-01, v2;
	v50 =	vperm.xlane v0, v50  }
0x72: {  	[tilespmem:s20+$0xFFFFFF40] =	vst v14;
	v14 =	vadd.f32 v42, v33;
	v49 =	vcvt.f32.s32 v58;
	v56 =	vtrunc.f32 v56  }
0x73: {  	v8 =	vmax.f32 v3, $0.0e+00;
	v42 =	vcvt.f32.s32 v62;
	v20 =	vmul.f32 v20, v47  }
0x74: {  	v5 =	vmul.f32 $3.199999930e-01, v8;
	v30 =	vtrunc.f32 v4;
	v4 =	vmax.f32 v57, $0.0e+00  }
0x75: {  	v61 =	vld [tilespmem:s31+$0x50];
	v3 =	vmax.f32 v13, $0.0e+00;
	v15 =	vmul.f32 v60, v15;
	v60 =	vmul.f32 $3.199999930e-01, v4  }
0x76: {  	v63 =	vld [tilespmem:s31+$0x60];
	[tilespmem:s20+$0x10] =	vst v25;
	v59 =	vtrunc.f32 v59;
	v34 =	vmul.f32 $3.199999930e-01, v3;
	v53 =	vmax.f32 v53, $0.0e+00  }
0x77: {  	[tilespmem:s20+$0xFFFFFF50] =	vst v16;
	v16 =	vadd.f32 v43, v27;
	v31 =	vtrunc.f32 v60;
	v60 =	vmul.f32 $3.199999930e-01, v53  }
0x78: {  	[tilespmem:s20+$0xFFFFFF60] =	vst v14;
	v14 =	vadd.f32 v45, v41;
	v56 =	vcvt.f32.s32 v56;
	v28 =	vcvt.f32.s32 v30  }
0x79: {  	v39 =	vld.idx.msk [tilespmem:v29+s13+$0x0], $0xffff;
	[tilespmem:s20+$0xFFFFFF70] =	vst v16;
	v57 =	vtrunc.f32 v5;
	v30 =	vadd.f32 v15, v50;
	v60 =	vtrunc.f32 v60  }
0x7a: {  	s21 =	simm.s32 $0x8300;
	v58 =	vld.idx.msk [tilespmem:v38+s13+$0x0], $0xffff;
	[tilespmem:s20+$0x0] =	vst v14;
	v5 =	vmax.f32 v61, $0.0e+00;
	v61 =	vtrunc.f32 v12;
	v32 =	vcvt.f32.s32 v60  }
0x7b: {  	v12 =	vmax.f32 v63, $0.0e+00;
	v63 =	vmul.f32 $3.199999930e-01, v5;
	v17 =	vcvt.f32.s32 v61;
	v61 =	vld.idx.msk [tilespmem:v40+s13+$0x0], $0xffff;
	[tilespmem:s21+$0x70] =	vst v30  }
0x7c: {  	v29 =	vcvt.f32.s32 v59;
	v34 =	vtrunc.f32 v34;
	v19 =	vld [tilespmem:$0x1FFD0]  }
0x7d: {  	v13 =	vmul.f32 $3.199999930e-01, v12;
	v35 =	vtrunc.f32 v63;
	v63 =	vld.idx.msk [tilespmem:v37+s13+$0x0], $0xffff  }
0x7e: {  	v27 =	vcvt.f32.s32 v57;
	v16 =	vcvt.f32.s32 v34;
	v34 =	vld.idx.msk [tilespmem:v49+s13+$0x0], $0xffff  }
0x7f: {  	v15 =	vcvt.f32.s32 v31;
	v31 =	vmul.f32 v39, v44;
	v60 =	vld.idx.msk [tilespmem:v36+s13+$0x0], $0xffff  }
0x80: {  	v13 =	vtrunc.f32 v13;
	v22 =	vmul.f32 v58, v48;
	v59 =	vld.idx.msk [tilespmem:v32+s13+$0x0], $0xffff  }
0x81: {  	v37 =	vperm.xlane v0, v49;
	v14 =	vcvt.f32.s32 v35;
	v31 =	vadd.f32 v31, v19;
	v19 =	vld [tilespmem:$0x1FFE0]  }
0x82: {  	v13 =	vcvt.f32.s32 v13;
	v33 =	vmul.f32 v63, v46;
	v63 =	vld [tilespmem:$0x1FFF0]  }
0x83: {  	v26 =	vld.idx.msk [tilespmem:v42+s13+$0x0], $0xffff;
	v35 =	vperm.xlane v0, v40;
	v30 =	vadd.f32 v20, v23;
	v20 =	vperm.xlane v0, v38  }
0x84: {  	v25 =	vld.idx.msk [tilespmem:v56+s13+$0x0], $0xffff;
	v36 =	vperm.xlane v0, v36;
	v24 =	vmul.f32 v61, v24  }
0x85: {  	v38 =	vadd.f32 v22, v20;
	v20 =	vld.idx.msk [tilespmem:v28+s13+$0x0], $0xffff;
	v62 =	vperm.xlane v0, v32;
	v23 =	vmul.f32 v59, v53  }
0x86: {  	s22 =	sshll.u32 s19, $0xF;
	s24 =	simm.s32 $0x10;
	v22 =	vperm.xlane v0, v42;
	v39 =	vmul.f32 v60, v51;
	v32 =	vadd.f32 v33, v19;
	v19 =	vld.idx.msk [tilespmem:v29+s13+$0x0], $0xffff  }
0x87: {  	s25 =	simm.s32 $0x500;
	s23 =	simm.s32 $0x8300;
	s22 =	sor.u32 s5, s22;
	v33 =	vadd.f32 v21, v63;
	v21 =	vld.idx.msk [tilespmem:v27+s13+$0x0], $0xffff;
	v40 =	vadd.f32 v23, v62;
	v23 =	vperm.xlane v0, v56  }
.LBB2_7:
0x88: {  	v41 =	vld [tilespmem:s25+$0x70];
	s24 =	sadd.s32 $0x10, s24;
	[tilespmem:s21+$0xFFFFFF10] =	vst v38;
	v36 =	vadd.f32 v39, v36;
	v9 =	vmul.f32 v34, v9;
	v29 =	vperm.xlane v0, v29  }
0x89: {  	v10 =	vmul.f32 v26, v10;
	v28 =	vperm.xlane v0, v28;
	v34 =	vld [tilespmem:s25+$0xFFFFFF10];
	p1 =	slt.u32 s24, $0x3F0;
	[tilespmem:s21+$0xFFFFFF00] =	vst v40;
	v24 =	vadd.f32 v24, v35  }
0x8a: {  	v27 =	vperm.xlane v0, v27;
	v11 =	vmul.f32 v25, v11;
	v35 =	vld [tilespmem:s25+$0xFFFFFF20];
	[tilespmem:s21+$0xFFFFFF20] =	vst v36;
	v9 =	vadd.f32 v9, v37  }
0x8b: {  	v10 =	vadd.f32 v10, v22;
	v37 =	vmul.f32 v19, v7;
	v19 =	vperm.xlane v0, v17;
	v36 =	vld [tilespmem:s25+$0xFFFFFF30];
	[tilespmem:s21+$0xFFFFFF30] =	vst v24  }
0x8c: {  	v38 =	vmul.f32 v20, v6;
	v20 =	vperm.xlane v0, v16;
	v7 =	vld [tilespmem:s25+$0xFFFFFF40];
	[tilespmem:s21+$0xFFFFFF40] =	vst v9;
	v9 =	vadd.f32 v11, v23  }
0x8d: {  	v26 =	vmovc v12;
	v40 =	vmul.f32 v21, v8;
	v21 =	vperm.xlane v0, v15;
	v6 =	vld [tilespmem:s25+$0xFFFFFF50];
	v39 =	vmax.f32 v41, $0.0e+00;
	[tilespmem:s21+$0xFFFFFF50] =	vst v10  }
0x8e: {  	v23 =	vperm.xlane v0, v14;
	v25 =	vmax.f32 v34, $0.0e+00;
	v8 =	vld [tilespmem:s25+$0xFFFFFF60];
	v10 =	vmul.f32 $3.199999930e-01, v39;
	[tilespmem:s21+$0xFFFFFF60] =	vst v9  }
0x8f: {  	v34 =	vperm.xlane v0, v13;
	v11 =	vmul.f32 $3.199999930e-01, v25;
	v22 =	vmax.f32 v35, $0.0e+00;
	v12 =	vld [tilespmem:s25+$0xFFFFFF70];
	[tilespmem:s20+$0x20] =	vst v30  }
0x90: {  	v30 =	vmul.f32 $3.199999930e-01, v22;
	v24 =	vmax.f32 v36, $0.0e+00;
	v35 =	vld [tilespmem:s25+$0x0];
	v10 =	vtrunc.f32 v10;
	[tilespmem:s20+$0x30] =	vst v31  }
0x91: {  	v31 =	vmul.f32 $3.199999930e-01, v24;
	v9 =	vmax.f32 v7, $0.0e+00;
	v36 =	vld [tilespmem:s25+$0x10];
	v41 =	vcvt.f32.s32 v10;
	[tilespmem:s20+$0x40] =	vst v32  }
0x92: {  	v32 =	vtrunc.f32 v11;
	v42 =	vmul.f32 $3.199999930e-01, v9;
	v10 =	vmax.f32 v6, $0.0e+00;
	v43 =	vld [tilespmem:s25+$0x20];
	[tilespmem:s20+$0x50] =	vst v33  }
0x93: {  	v30 =	vtrunc.f32 v30;
	v33 =	vmul.f32 $3.199999930e-01, v10;
	v11 =	vmax.f32 v8, $0.0e+00;
	v44 =	vld [tilespmem:s25+$0x30]  }
0x94: {  	v31 =	vtrunc.f32 v31;
	v45 =	vmul.f32 $3.199999930e-01, v11;
	v7 =	vmax.f32 v12, $0.0e+00;
	v12 =	vld [tilespmem:s25+$0x40]  }
0x95: {  	v42 =	vtrunc.f32 v42;
	v46 =	vmul.f32 $3.199999930e-01, v7;
	v6 =	vmax.f32 v35, $0.0e+00;
	v35 =	vld [tilespmem:s25+$0x50]  }
0x96: {  	v33 =	vtrunc.f32 v33;
	v47 =	vmul.f32 $3.199999930e-01, v6;
	v8 =	vmax.f32 v36, $0.0e+00;
	v36 =	vld [tilespmem:s25+$0x60]  }
0x97: {  	v45 =	vtrunc.f32 v45;
	v48 =	vmul.f32 $3.199999930e-01, v8;
	v43 =	vmax.f32 v43, $0.0e+00;
	v49 =	vld.idx.msk [tilespmem:v41+s13+$0x0], $0xffff  }
0x98: {  	v46 =	vtrunc.f32 v46;
	v50 =	vld [tilespmem:s25+$0xFFFFFF00];
	v51 =	vmul.f32 $3.199999930e-01, v43;
	v44 =	vmax.f32 v44, $0.0e+00  }
0x99: {  	v47 =	vtrunc.f32 v47;
	v52 =	vmul.f32 $3.199999930e-01, v44;
	v53 =	vmax.f32 v12, $0.0e+00;
	v54 =	vld.idx.msk [tilespmem:v17+s13+$0x0], $0xffff  }
0x9a: {  	v17 =	vtrunc.f32 v48;
	v48 =	vmul.f32 $3.199999930e-01, v53;
	v35 =	vmax.f32 v35, $0.0e+00;
	v55 =	vld.idx.msk [tilespmem:v16+s13+$0x0], $0xffff  }
0x9b: {  	v16 =	vtrunc.f32 v51;
	v51 =	vmul.f32 $3.199999930e-01, v35;
	v12 =	vmax.f32 v36, $0.0e+00;
	v36 =	vld.idx.msk [tilespmem:v15+s13+$0x0], $0xffff  }
0x9c: {  	v29 =	vadd.f32 v37, v29;
	v15 =	vtrunc.f32 v52;
	v52 =	vmul.f32 $3.199999930e-01, v12;
	v37 =	vld.idx.msk [tilespmem:v14+s13+$0x0], $0xffff  }
0x9d: {  	v14 =	vperm.xlane v0, v41;
	v39 =	vmul.f32 v49, v39;
	v50 =	vmax.f32 v50, $0.0e+00;
	v41 =	vld.idx.msk [tilespmem:v13+s13+$0x0], $0xffff  }
0x9e: {  	v28 =	vadd.f32 v38, v28;
	v48 =	vtrunc.f32 v48;
	v13 =	vmul.f32 $3.199999930e-01, v50;
	[tilespmem:s21+$0xFFFFFF70] =	vst v29  }
0x9f: {  	v38 =	vtrunc.f32 v51;
	v49 =	vtrunc.f32 v52;
	v14 =	vadd.f32 v39, v14  }
0xa0: {  	v27 =	vadd.f32 v40, v27;
	v32 =	vcvt.f32.s32 v32;
	s21 =	sadd.s32 $0x200, s21;
	v13 =	vtrunc.f32 v13;
	[tilespmem:s23+$0x0] =	vst v28  }
0xa1: {  	v40 =	vcvt.f32.s32 v30;
	v39 =	vcvt.f32.s32 v13;
	[tilespmem:s21+$0x70] =	vst v14;
	v13 =	vadd.f32 v18, v1;
	v1 =	vmovc v34  }
0xa2: {  	v42 =	vcvt.f32.s32 v42;
	v51 =	vcvt.f32.s32 v31;
	[tilespmem:s23+$0x10] =	vst v27  }
0xa3: {  	v45 =	vcvt.f32.s32 v45;
	v52 =	vcvt.f32.s32 v33;
	[tilespmem:s20+$0x60] =	vst v13;
	s20 =	smov.u32 s23;
	s23 =	smov.u32 s21  }
0xa4: {  	v29 =	vcvt.f32.s32 v46;
	v28 =	vcvt.f32.s32 v47  }
0xa5: {  	v27 =	vcvt.f32.s32 v17;
	v17 =	vcvt.f32.s32 v16  }
0xa6: {  	v16 =	vcvt.f32.s32 v15;
	v15 =	vcvt.f32.s32 v48;
	v33 =	vld.idx.msk [tilespmem:v32+s13+$0x0], $0xffff  }
0xa7: {  	v14 =	vcvt.f32.s32 v38;
	v13 =	vcvt.f32.s32 v49;
	v46 =	vld.idx.msk [tilespmem:v39+s13+$0x0], $0xffff  }
0xa8: {  	v31 =	vmul.f32 v55, v3;
	v3 =	vmovc v44;
	v18 =	vmul.f32 v54, v2;
	v2 =	vmov v43;
	v47 =	vld.idx.msk [tilespmem:v40+s13+$0x0], $0xffff  }
0xa9: {  	v38 =	vmul.f32 v36, v4;
	v44 =	vmul.f32 v37, v5;
	v4 =	vmovc v53;
	v5 =	vmov v35;
	v43 =	vld.idx.msk [tilespmem:v51+s13+$0x0], $0xffff  }
0xaa: {  	v48 =	vperm.xlane v0, v39;
	v30 =	vadd.f32 v18, v19;
	v18 =	vmul.f32 v41, v26;
	v34 =	vld.idx.msk [tilespmem:v42+s13+$0x0], $0xffff  }
.Ltmp4:
0xab: {  	v36 =	vperm.xlane v0, v40;
	v31 =	vadd.f32 v31, v20;
	v39 =	vperm.xlane v0, v32;
	v26 =	vld.idx.msk [tilespmem:v52+s13+$0x0], $0xffff;
	(pc) =	sbr.rel @p1 .LBB2_7-.Ltmp4, $4  }
0xac: {  	v35 =	vperm.xlane v0, v51;
	v32 =	vadd.f32 v38, v21;
	v20 =	vmul.f32 v33, v25;
	v25 =	vld.idx.msk [tilespmem:v45+s13+$0x0], $0xffff  }
0xad: {  	v37 =	vperm.xlane v0, v42;
	v33 =	vadd.f32 v44, v23;
	v21 =	vmul.f32 v46, v50;
	v19 =	vld.idx.msk [tilespmem:v29+s13+$0x0], $0xffff  }
0xae: {  	v38 =	vadd.f32 v20, v39;
	v39 =	vmul.f32 v47, v22;
	v22 =	vperm.xlane v0, v52;
	v20 =	vld.idx.msk [tilespmem:v28+s13+$0x0], $0xffff  }
0xaf: {  	s25 =	sadd.s32 $0x200, s25;
	v23 =	vperm.xlane v0, v45;
	v40 =	vadd.f32 v21, v48;
	v24 =	vmul.f32 v43, v24;
	v21 =	vld.idx.msk [tilespmem:v27+s13+$0x0], $0xffff  }
0xb0: {  	[tilespmem:s21+$0xFFFFFF10] =	vst v38  }
0xb1: {  	[tilespmem:s20+$0x20] =	vst v30  }
0xb2: {  	[tilespmem:s20+$0x30] =	vst v31  }
0xb3: {  	[tilespmem:s20+$0x40] =	vst v32  }
0xb4: {  	v36 =	vadd.f32 v39, v36;
	v9 =	vmul.f32 v34, v9;
	v10 =	vmul.f32 v26, v10;
	[tilespmem:s20+$0x50] =	vst v33  }
0xb5: {  	v49 =	vperm.xlane v0, v29;
	v50 =	vld.idx.msk [tilespmem:v17+s13+$0x0], $0xffff;
	v1 =	vadd.f32 v18, v1;
	[tilespmem:s21+$0xFFFFFF00] =	vst v40  }
0xb6: {  	v51 =	vperm.xlane v0, v28;
	v52 =	vld.idx.msk [tilespmem:v16+s13+$0x0], $0xffff;
	v24 =	vadd.f32 v24, v35;
	[tilespmem:s21+$0xFFFFFF20] =	vst v36  }
0xb7: {  	v53 =	vperm.xlane v0, v27;
	v11 =	vmul.f32 v25, v11;
	v9 =	vadd.f32 v9, v37;
	[tilespmem:s20+$0x60] =	vst v1  }
0xb8: {  	v54 =	vld.idx.msk [tilespmem:v15+s13+$0x0], $0xffff;
	v10 =	vadd.f32 v10, v22;
	v7 =	vmul.f32 v19, v7;
	[tilespmem:s21+$0xFFFFFF30] =	vst v24  }
0xb9: {  	v55 =	vld.idx.msk [tilespmem:v14+s13+$0x0], $0xffff;
	v48 =	vadd.f32 v11, v23;
	v6 =	vmul.f32 v20, v6;
	[tilespmem:s21+$0xFFFFFF40] =	vst v9  }
0xba: {  	v56 =	vld.idx.msk [tilespmem:v13+s13+$0x0], $0xffff;
	[tilespmem:s21+$0xFFFFFF50] =	vst v10;
	v8 =	vmul.f32 v21, v8;
	v7 =	vadd.f32 v7, v49  }
0xbb: {  	v57 =	vperm.xlane v0, v17;
	[tilespmem:s21+$0xFFFFFF60] =	vst v48;
	v6 =	vadd.f32 v6, v51;
	v2 =	vmul.f32 v50, v2  }
0xbc: {  	v59 =	vperm.xlane v0, v16;
	v3 =	vmul.f32 v52, v3;
	[tilespmem:s21+$0xFFFFFF70] =	vst v7;
	v58 =	vadd.f32 v8, v53  }
0xbd: {  	v60 =	vperm.xlane v0, v15;
	v4 =	vmul.f32 v54, v4;
	[tilespmem:s23+$0x0] =	vst v6;
	v2 =	vadd.f32 v2, v57  }
0xbe: {  	v61 =	vperm.xlane v0, v14;
	v1 =	vmul.f32 v55, v5;
	v3 =	vadd.f32 v3, v59;
	[tilespmem:s23+$0x10] =	vst v58  }
0xbf: {  	v62 =	vperm.xlane v0, v13;
	v63 =	vmul.f32 v56, v12;
	v4 =	vadd.f32 v4, v60;
	[tilespmem:s23+$0x20] =	vst v2  }
0xc0: {  	v1 =	vadd.f32 v1, v61;
	[tilespmem:s23+$0x30] =	vst v3  }
0xc1: {  	s20 =	sshrl.u32 s22, $0x3;
	[tilespmem:s23+$0x40] =	vst v4;
	v2 =	vadd.f32 v63, v62  }
0xc2: {  	s24 =	simm.s32 $0x8100;
	s21 =	sadd.s32 s3, s20;
	[tilespmem:s23+$0x50] =	vst v1  }
0xc3: {  	s22 =	simm.s32 $0x8000;
	s25 =	sadd.s32 $0x0, s21;
	[tilespmem:s23+$0x60] =	vst v2;
	s23 =	simm.s32 $0x10  }
.LBB2_9:
0xc4: {  	[hbm4b:s25+s4] =	stream.linear.scatter [tilespmem:s22], [sflag:$0x3], $0x80, $0x38;
	[tilespmem:$0x10100] =	vst v63  }
0xc5: {  	s25 =	smov.u32 s23;
	s22 =	smov.u32 s24;
	p1 =	sne.s32 s23, $0x7F0  }
.Ltmp5:
0xc6: {  	s23 =	sadd.s32 $0x10, s23;
	(pc) =	sbr.rel @p1 .LBB2_9-.Ltmp5, $2  }
0xc7: {  	_ =	sdelay $0x2  }
0xc8: {  	s24 =	sadd.s32 $0x100, s24;
	s25 =	sadd.s32 s25, s21  }
0xc9: {  	p1 =	sne.s32 s19, $0xF  }
.Ltmp6:
0xca: {  	_ = 	snop;
	(pc) =	sbr.rel @p1 .LBB2_12-.Ltmp6, $2  }
0xcb: {  	_ =	sdelay $0x2  }
0xcc: {  	[hbm4b:s25+s4] =	stream.linear.scatter [tilespmem:s22], [sflag:$0x3], $0x80, $0x38;
	[tilespmem:$0x10100] =	vst v63  }
.Ltmp7:
0xcd: {  	(pc) =	sbr.rel .LBB2_15-.Ltmp7, $4  }
0xce: {  	_ = 	snop  }
0xcf: {  	_ =	swait.ge [sflag:s15], $0x4000  }
0xd0: {  	[sflag:s15] =	ssyncset.done $0x0  }
0xd1: {  	[sflag:s15] =	ssyncadd.s32 $0xFFFFC000  }
.LBB2_12:
0xd2: {  	s21 =	sadd.s32 s1, s20  }
0xd3: {  	s22 =	simm.s32 $0x0;
	s21 =	sadd.s32 $0x1000, s21  }
0xd4: {  	s23 =	simm.s32 $0x10;
	s24 =	simm.s32 $0x100;
	s25 =	sadd.s32 $0x0, s21  }
.LBB2_13:
0xd5: {  	[tilespmem:s22], [sflag:$0x1] =	stream.linear.gather [hbm4b:s25+s4], $0x80, $0x38;
	[tilespmem:$0x10100] =	vst v63  }
0xd6: {  	s25 =	smov.u32 s23;
	s22 =	smov.u32 s24;
	p1 =	sne.s32 s23, $0x7F0  }
.Ltmp8:
0xd7: {  	s23 =	sadd.s32 $0x10, s23;
	(pc) =	sbr.rel @p1 .LBB2_13-.Ltmp8, $2  }
0xd8: {  	_ =	sdelay $0x2  }
0xd9: {  	s24 =	sadd.s32 $0x100, s24;
	s25 =	sadd.s32 s25, s21  }
.Ltmp9:
0xda: {  	(pc) =	sbr.rel @p0 .LBB2_16-.Ltmp9, $4  }
0xdb: {  	[tilespmem:s22], [sflag:$0x1] =	stream.linear.gather [hbm4b:s25+s4], $0x80, $0x38;
	[tilespmem:$0x10100] =	vst v63  }
0xdc: {  	_ =	swait.ge [sflag:s15], $0x4000  }
0xdd: {  	[sflag:s15] =	ssyncset.done $0x0  }
0xde: {  	[sflag:s15] =	ssyncadd.s32 $0xFFFFC000  }
.LBB2_15:
0xdf: {  	_ =	swait.ge [sflag:s16], $0x4000  }
0xe0: {  	[sflag:s16] =	ssyncset.done $0x0  }
0xe1: {  	[sflag:s16] =	ssyncadd.s32 $0xFFFFC000  }
.LBB2_16:
0xe2: {  	s21 =	simm.s32 $0x180  }
0xe3: {  	v1 =	vld [tilespmem:s21+$0x70]  }
0xe4: {  	v2 =	vld [tilespmem:s21+$0xFFFFFF10]  }
0xe5: {  	v3 =	vld [tilespmem:s21+$0xFFFFFF20]  }
0xe6: {  	v4 =	vld [tilespmem:s21+$0xFFFFFF30]  }
0xe7: {  	v5 =	vld [tilespmem:s21+$0xFFFFFF40]  }
0xe8: {  	v6 =	vld [tilespmem:s21+$0xFFFFFF50]  }
0xe9: {  	v7 =	vld [tilespmem:s21+$0xFFFFFF60]  }
0xea: {  	v10 =	vld [tilespmem:s21+$0xFFFFFF70]  }
0xeb: {  	v12 =	vld [tilespmem:s21+$0x0]  }
0xec: {  	v14 =	vld [tilespmem:s21+$0x10];
	v1 =	vmax.f32 v1, $0.0e+00  }
0xed: {  	v16 =	vld [tilespmem:s21+$0x20];
	v2 =	vmax.f32 v2, $0.0e+00;
	v3 =	vmax.f32 v3, $0.0e+00;
	v4 =	vmax.f32 v4, $0.0e+00  }
0xee: {  	v19 =	vld [tilespmem:s21+$0x30];
	v5 =	vmax.f32 v5, $0.0e+00;
	v6 =	vmax.f32 v6, $0.0e+00;
	v7 =	vmax.f32 v7, $0.0e+00  }
0xef: {  	v20 =	vld [tilespmem:s21+$0x40];
	v10 =	vmax.f32 v10, $0.0e+00;
	v8 =	vmul.f32 $3.199999930e-01, v1;
	v9 =	vmul.f32 $3.199999930e-01, v2  }
0xf0: {  	v12 =	vmax.f32 v12, $0.0e+00;
	v11 =	vmul.f32 $3.199999930e-01, v3;
	v13 =	vmul.f32 $3.199999930e-01, v4  }
0xf1: {  	v25 =	vmax.f32 v14, $0.0e+00;
	v15 =	vmul.f32 $3.199999930e-01, v5;
	v17 =	vmul.f32 $3.199999930e-01, v6  }
0xf2: {  	v46 =	vmax.f32 v16, $0.0e+00;
	v18 =	vmul.f32 $3.199999930e-01, v7;
	v21 =	vmul.f32 $3.199999930e-01, v10  }
0xf3: {  	v43 =	vmax.f32 v19, $0.0e+00;
	v24 =	vmul.f32 $3.199999930e-01, v12;
	v26 =	vmul.f32 $3.199999930e-01, v25  }
0xf4: {  	v22 =	vld [tilespmem:s21+$0xFFFFFF00];
	v45 =	vmax.f32 v20, $0.0e+00;
	v28 =	vmul.f32 $3.199999930e-01, v46;
	v29 =	vmul.f32 $3.199999930e-01, v43  }
0xf5: {  	v23 =	vld [tilespmem:s21+$0x50];
	v30 =	vmul.f32 $3.199999930e-01, v45;
	v8 =	vtrunc.f32 v8  }
0xf6: {  	v9 =	vtrunc.f32 v9;
	v11 =	vtrunc.f32 v11  }
0xf7: {  	v13 =	vtrunc.f32 v13;
	v15 =	vtrunc.f32 v15  }
0xf8: {  	v17 =	vtrunc.f32 v17;
	v14 =	vtrunc.f32 v18  }
0xf9: {  	v31 =	vmax.f32 v22, $0.0e+00;
	v27 =	vtrunc.f32 v21;
	v24 =	vtrunc.f32 v24  }
0xfa: {  	v26 =	vtrunc.f32 v26;
	v21 =	vmax.f32 v23, $0.0e+00;
	v23 =	vtrunc.f32 v28  }
0xfb: {  	v28 =	vmul.f32 $3.199999930e-01, v31;
	v8 =	vcvt.f32.s32 v8  }
0xfc: {  	v16 =	vld [tilespmem:s21+$0x60];
	v29 =	vtrunc.f32 v29;
	v9 =	vcvt.f32.s32 v9  }
0xfd: {  	v33 =	vmul.f32 $3.199999930e-01, v21;
	v11 =	vcvt.f32.s32 v11  }
0xfe: {  	v58 =	vcvt.f32.s32 v13;
	v13 =	vtrunc.f32 v30  }
0xff: {  	v15 =	vcvt.f32.s32 v15;
	v17 =	vcvt.f32.s32 v17  }
0x100: {  	v59 =	vcvt.f32.s32 v14;
	v27 =	vcvt.f32.s32 v27  }
0x101: {  	v24 =	vcvt.f32.s32 v24;
	v22 =	vmax.f32 v16, $0.0e+00;
	v16 =	vtrunc.f32 v28;
	v32 =	vld.idx.msk [tilespmem:v8+s13+$0x0], $0xffff  }
0x102: {  	v28 =	vmul.f32 $3.199999930e-01, v22;
	v16 =	vcvt.f32.s32 v16;
	v34 =	vld.idx.msk [tilespmem:v9+s13+$0x0], $0xffff  }
0x103: {  	v26 =	vcvt.f32.s32 v26;
	v36 =	vcvt.f32.s32 v23;
	v23 =	vld.idx.msk [tilespmem:v11+s13+$0x0], $0xffff  }
0x104: {  	v29 =	vcvt.f32.s32 v29;
	v28 =	vtrunc.f32 v28;
	v38 =	vld.idx.msk [tilespmem:v58+s13+$0x0], $0xffff  }
0x105: {  	v30 =	vtrunc.f32 v33;
	v19 =	vcvt.f32.s32 v28;
	v28 =	vld.idx.msk [tilespmem:v15+s13+$0x0], $0xffff  }
0x106: {  	v18 =	vcvt.f32.s32 v30;
	v30 =	vperm.xlane v0, v9;
	v9 =	vld.idx.msk [tilespmem:v17+s13+$0x0], $0xffff  }
0x107: {  	v37 =	vcvt.f32.s32 v13;
	v39 =	vperm.xlane v0, v11;
	v11 =	vld.idx.msk [tilespmem:v27+s13+$0x0], $0xffff  }
0x108: {  	v20 =	vperm.xlane v0, v15;
	v33 =	vperm.xlane v0, v59;
	v35 =	vld.idx.msk [tilespmem:v16+s13+$0x0], $0xffff  }
0x109: {  	s31 =	simm.s32 $0x380;
	v8 =	vperm.xlane v0, v8;
	v34 =	vmul.f32 v34, v2;
	v2 =	vld.idx.msk [tilespmem:v59+s13+$0x0], $0xffff  }
0x10a: {  	v17 =	vperm.xlane v0, v17;
	v38 =	vmul.f32 v38, v4;
	v4 =	vld [tilespmem:s31+$0x70]  }
0x10b: {  	v27 =	vperm.xlane v0, v27;
	v28 =	vmul.f32 v28, v5;
	v5 =	vld.idx.msk [tilespmem:v26+s13+$0x0], $0xffff  }
0x10c: {  	v16 =	vperm.xlane v0, v16;
	v40 =	vmul.f32 v9, v6;
	v6 =	vld [tilespmem:s31+$0xFFFFFF10]  }
0x10d: {  	v31 =	vmul.f32 v35, v31;
	v35 =	vmul.f32 v23, v3;
	v3 =	vld.idx.msk [tilespmem:v24+s13+$0x0], $0xffff  }
0x10e: {  	v1 =	vmul.f32 v32, v1;
	v32 =	vperm.xlane v0, v58  }
0x10f: {  	v26 =	vperm.xlane v0, v26;
	v42 =	vmul.f32 v11, v10  }
0x110: {  	v41 =	vmul.f32 v2, v7;
	v2 =	vld [tilespmem:s31+$0xFFFFFF20];
	v15 =	vmax.f32 v4, $0.0e+00;
	v4 =	vperm.xlane v0, v29  }
0x111: {  	v7 =	vld [tilespmem:s31+$0xFFFFFF30];
	v25 =	vmul.f32 v5, v25;
	v5 =	vperm.xlane v0, v37  }
0x112: {  	v47 =	vmax.f32 v6, $0.0e+00;
	v6 =	vperm.xlane v0, v18;
	v44 =	vmul.f32 v3, v12;
	v3 =	vld [tilespmem:s31+$0xFFFFFF40];
	[tilespmem:$0x1FFA0] =	vst v4  }
0x113: {  	v24 =	vperm.xlane v0, v24;
	v4 =	vmul.f32 $3.199999930e-01, v15;
	v10 =	vld [tilespmem:s31+$0xFFFFFF50];
	[tilespmem:$0x1FFB0] =	vst v5  }
0x114: {  	v23 =	vperm.xlane v0, v36;
	v48 =	vadd.f32 v1, v8;
	v1 =	vperm.xlane v0, v19;
	v5 =	vld [tilespmem:s31+$0xFFFFFF60];
	[tilespmem:$0x1FFC0] =	vst v6  }
0x115: {  	v14 =	vadd.f32 v34, v30;
	v16 =	vadd.f32 v31, v16;
	v4 =	vtrunc.f32 v4;
	v8 =	vld [tilespmem:s31+$0xFFFFFF70]  }
0x116: {  	s21 =	simm.s32 $0x8180;
	v6 =	vmul.f32 $3.199999930e-01, v47;
	v49 =	vcvt.f32.s32 v4;
	v50 =	vmax.f32 v2, $0.0e+00;
	v2 =	vld [tilespmem:s31+$0x0]  }
0x117: {  	v51 =	vmax.f32 v7, $0.0e+00;
	v53 =	vld [tilespmem:s31+$0x20];
	[tilespmem:s21+$0xFFFFFF10] =	vst v14;
	v14 =	vadd.f32 v35, v39;
	v4 =	vmul.f32 $3.199999930e-01, v50  }
0x118: {  	[tilespmem:s21+$0xFFFFFF00] =	vst v16;
	v16 =	vadd.f32 v38, v32;
	v37 =	vld.idx.msk [tilespmem:v37+s13+$0x0], $0xffff;
	v7 =	vmul.f32 $3.199999930e-01, v51;
	v52 =	vtrunc.f32 v6  }
0x119: {  	v18 =	vld.idx.msk [tilespmem:v18+s13+$0x0], $0xffff;
	v9 =	vmax.f32 v3, $0.0e+00;
	v38 =	vcvt.f32.s32 v52;
	[tilespmem:s21+$0xFFFFFF20] =	vst v14;
	v14 =	vadd.f32 v28, v20  }
0x11a: {  	v19 =	vld.idx.msk [tilespmem:v19+s13+$0x0], $0xffff;
	v6 =	vmul.f32 $3.199999930e-01, v9;
	v10 =	vmax.f32 v10, $0.0e+00;
	v54 =	vtrunc.f32 v4  }
0x11b: {  	v3 =	vld [tilespmem:s31+$0x10];
	[tilespmem:s21+$0xFFFFFF30] =	vst v16;
	v16 =	vadd.f32 v40, v17;
	v55 =	vtrunc.f32 v7;
	v4 =	vmul.f32 $3.199999930e-01, v10  }
0x11c: {  	v20 =	vld.idx.msk [tilespmem:v36+s13+$0x0], $0xffff;
	v11 =	vmax.f32 v5, $0.0e+00;
	v36 =	vcvt.f32.s32 v54;
	v40 =	vcvt.f32.s32 v55  }
0x11d: {  	v57 =	vld [tilespmem:s31+$0x40];
	[tilespmem:s21+$0xFFFFFF40] =	vst v14;
	v14 =	vadd.f32 v41, v33;
	v56 =	vmul.f32 $3.199999930e-01, v11;
	v58 =	vtrunc.f32 v6  }
0x11e: {  	v61 =	vld [tilespmem:s31+$0x50];
	v7 =	vmax.f32 v8, $0.0e+00;
	v33 =	vmul.f32 v37, v45;
	v21 =	vmul.f32 v18, v21  }
0x11f: {  	v63 =	vld [tilespmem:s31+$0x60];
	v6 =	vmax.f32 v2, $0.0e+00;
	v18 =	vmul.f32 v19, v22;
	v59 =	vmul.f32 $3.199999930e-01, v7  }
0x120: {  	v2 =	vmax.f32 v53, $0.0e+00;
	v60 =	vld.idx.msk [tilespmem:v49+s13+$0x0], $0xffff;
	v62 =	vtrunc.f32 v4;
	v4 =	vmul.f32 $3.199999930e-01, v6  }
0x121: {  	v53 =	vld [tilespmem:s31+$0xFFFFFF00];
	v12 =	vmul.f32 $3.199999930e-01, v2;
	v49 =	vperm.xlane v0, v49;
	v8 =	vmax.f32 v3, $0.0e+00  }
0x122: {  	v25 =	vadd.f32 v25, v26;
	v56 =	vtrunc.f32 v56;
	v5 =	vmul.f32 $3.199999930e-01, v8  }
0x123: {  	v13 =	vld [tilespmem:s31+$0x30];
	v41 =	vcvt.f32.s32 v62;
	v30 =	vtrunc.f32 v4;
	v4 =	vmax.f32 v57, $0.0e+00  }
0x124: {  	v57 =	vtrunc.f32 v5;
	v5 =	vmax.f32 v61, $0.0e+00;
	v61 =	vtrunc.f32 v12  }
0x125: {  	[tilespmem:s21+$0xFFFFFF50] =	vst v16;
	v16 =	vadd.f32 v42, v27;
	v15 =	vmul.f32 v60, v15;
	v60 =	vmul.f32 $3.199999930e-01, v4  }
0x126: {  	[tilespmem:s21+$0x70] =	vst v48;
	v12 =	vmax.f32 v63, $0.0e+00;
	v53 =	vmax.f32 v53, $0.0e+00;
	v63 =	vmul.f32 $3.199999930e-01, v5  }
0x127: {  	[tilespmem:s21+$0xFFFFFF60] =	vst v14;
	v14 =	vadd.f32 v44, v24;
	v31 =	vtrunc.f32 v60;
	v60 =	vmul.f32 $3.199999930e-01, v53  }
0x128: {  	[tilespmem:s21+$0x10] =	vst v25;
	v3 =	vmax.f32 v13, $0.0e+00;
	v59 =	vtrunc.f32 v59;
	v35 =	vtrunc.f32 v63  }
0x129: {  	[tilespmem:s21+$0xFFFFFF70] =	vst v16;
	v63 =	vcvt.f32.s32 v58;
	v24 =	vadd.f32 v15, v49;
	v60 =	vtrunc.f32 v60  }
0x12a: {  	s22 =	simm.s32 $0x8380;
	v39 =	vld.idx.msk [tilespmem:v29+s13+$0x0], $0xffff;
	v34 =	vmul.f32 $3.199999930e-01, v3;
	[tilespmem:s21+$0x0] =	vst v14;
	v32 =	vcvt.f32.s32 v60  }
0x12b: {  	v20 =	vmul.f32 v20, v46;
	v29 =	vcvt.f32.s32 v59;
	v59 =	vld.idx.msk [tilespmem:v38+s13+$0x0], $0xffff;
	[tilespmem:s22+$0x70] =	vst v24  }
0x12c: {  	v28 =	vcvt.f32.s32 v30;
	v34 =	vtrunc.f32 v34;
	v19 =	vld [tilespmem:$0x1FFA0]  }
0x12d: {  	v13 =	vmul.f32 $3.199999930e-01, v12;
	v17 =	vcvt.f32.s32 v61;
	v61 =	vld.idx.msk [tilespmem:v40+s13+$0x0], $0xffff  }
0x12e: {  	v16 =	vcvt.f32.s32 v34;
	v58 =	vcvt.f32.s32 v56;
	v24 =	vld.idx.msk [tilespmem:v36+s13+$0x0], $0xffff  }
0x12f: {  	v15 =	vcvt.f32.s32 v31;
	v31 =	vmul.f32 v39, v43;
	v34 =	vld.idx.msk [tilespmem:v63+s13+$0x0], $0xffff  }
0x130: {  	v37 =	vperm.xlane v0, v36;
	v30 =	vadd.f32 v20, v23;
	v20 =	vperm.xlane v0, v38;
	v60 =	vld.idx.msk [tilespmem:v32+s13+$0x0], $0xffff  }
0x131: {  	v27 =	vcvt.f32.s32 v57;
	v13 =	vtrunc.f32 v13;
	v31 =	vadd.f32 v31, v19;
	v19 =	vld [tilespmem:$0x1FFB0]  }
0x132: {  	v22 =	vmul.f32 v59, v47;
	v36 =	vperm.xlane v0, v63;
	v63 =	vld [tilespmem:$0x1FFC0]  }
0x133: {  	v26 =	vld.idx.msk [tilespmem:v41+s13+$0x0], $0xffff;
	v14 =	vcvt.f32.s32 v35;
	v13 =	vcvt.f32.s32 v13  }
0x134: {  	v35 =	vperm.xlane v0, v40;
	v38 =	vadd.f32 v22, v20;
	v22 =	vperm.xlane v0, v41;
	v20 =	vld.idx.msk [tilespmem:v28+s13+$0x0], $0xffff  }
0x135: {  	v62 =	vperm.xlane v0, v32;
	v25 =	vld.idx.msk [tilespmem:v58+s13+$0x0], $0xffff;
	v23 =	vmul.f32 v60, v53  }
0x136: {  	v39 =	vmul.f32 v24, v50;
	v24 =	vmul.f32 v61, v51;
	v32 =	vadd.f32 v33, v19;
	v19 =	vld.idx.msk [tilespmem:v29+s13+$0x0], $0xffff  }
0x137: {  	s24 =	simm.s32 $0x10;
	s25 =	simm.s32 $0x580;
	s23 =	simm.s32 $0x8380;
	v33 =	vadd.f32 v21, v63;
	v21 =	vld.idx.msk [tilespmem:v27+s13+$0x0], $0xffff;
	v40 =	vadd.f32 v23, v62;
	v23 =	vperm.xlane v0, v58  }
.LBB2_17:
0x138: {  	v41 =	vld [tilespmem:s25+$0x70];
	s24 =	sadd.s32 $0x10, s24;
	[tilespmem:s22+$0xFFFFFF10] =	vst v38;
	v37 =	vadd.f32 v39, v37;
	v9 =	vmul.f32 v34, v9;
	v29 =	vperm.xlane v0, v29  }
0x139: {  	v10 =	vmul.f32 v26, v10;
	v28 =	vperm.xlane v0, v28;
	v34 =	vld [tilespmem:s25+$0xFFFFFF10];
	p0 =	slt.u32 s24, $0x3F0;
	[tilespmem:s22+$0xFFFFFF00] =	vst v40;
	v24 =	vadd.f32 v24, v35  }
0x13a: {  	v27 =	vperm.xlane v0, v27;
	v11 =	vmul.f32 v25, v11;
	v35 =	vld [tilespmem:s25+$0xFFFFFF20];
	[tilespmem:s22+$0xFFFFFF20] =	vst v37;
	v9 =	vadd.f32 v9, v36  }
0x13b: {  	v10 =	vadd.f32 v10, v22;
	v37 =	vmul.f32 v19, v7;
	v19 =	vperm.xlane v0, v17;
	v36 =	vld [tilespmem:s25+$0xFFFFFF30];
	[tilespmem:s22+$0xFFFFFF30] =	vst v24  }
0x13c: {  	v38 =	vmul.f32 v20, v6;
	v20 =	vperm.xlane v0, v16;
	v7 =	vld [tilespmem:s25+$0xFFFFFF40];
	[tilespmem:s22+$0xFFFFFF40] =	vst v9;
	v9 =	vadd.f32 v11, v23  }
0x13d: {  	v26 =	vmovc v12;
	v40 =	vmul.f32 v21, v8;
	v21 =	vperm.xlane v0, v15;
	v6 =	vld [tilespmem:s25+$0xFFFFFF50];
	v39 =	vmax.f32 v41, $0.0e+00;
	[tilespmem:s22+$0xFFFFFF50] =	vst v10  }
0x13e: {  	v23 =	vperm.xlane v0, v14;
	v25 =	vmax.f32 v34, $0.0e+00;
	v8 =	vld [tilespmem:s25+$0xFFFFFF60];
	v10 =	vmul.f32 $3.199999930e-01, v39;
	[tilespmem:s22+$0xFFFFFF60] =	vst v9  }
0x13f: {  	v34 =	vperm.xlane v0, v13;
	v11 =	vmul.f32 $3.199999930e-01, v25;
	v22 =	vmax.f32 v35, $0.0e+00;
	v12 =	vld [tilespmem:s25+$0xFFFFFF70];
	[tilespmem:s21+$0x20] =	vst v30  }
0x140: {  	v30 =	vmul.f32 $3.199999930e-01, v22;
	v24 =	vmax.f32 v36, $0.0e+00;
	v35 =	vld [tilespmem:s25+$0x0];
	v10 =	vtrunc.f32 v10;
	[tilespmem:s21+$0x30] =	vst v31  }
0x141: {  	v31 =	vmul.f32 $3.199999930e-01, v24;
	v9 =	vmax.f32 v7, $0.0e+00;
	v36 =	vld [tilespmem:s25+$0x10];
	v41 =	vcvt.f32.s32 v10;
	[tilespmem:s21+$0x40] =	vst v32  }
0x142: {  	v32 =	vtrunc.f32 v11;
	v42 =	vmul.f32 $3.199999930e-01, v9;
	v10 =	vmax.f32 v6, $0.0e+00;
	v43 =	vld [tilespmem:s25+$0x20];
	[tilespmem:s21+$0x50] =	vst v33  }
0x143: {  	v30 =	vtrunc.f32 v30;
	v33 =	vmul.f32 $3.199999930e-01, v10;
	v11 =	vmax.f32 v8, $0.0e+00;
	v44 =	vld [tilespmem:s25+$0x30]  }
0x144: {  	v31 =	vtrunc.f32 v31;
	v45 =	vmul.f32 $3.199999930e-01, v11;
	v7 =	vmax.f32 v12, $0.0e+00;
	v12 =	vld [tilespmem:s25+$0x40]  }
0x145: {  	v42 =	vtrunc.f32 v42;
	v46 =	vmul.f32 $3.199999930e-01, v7;
	v6 =	vmax.f32 v35, $0.0e+00;
	v35 =	vld [tilespmem:s25+$0x50]  }
0x146: {  	v33 =	vtrunc.f32 v33;
	v47 =	vmul.f32 $3.199999930e-01, v6;
	v8 =	vmax.f32 v36, $0.0e+00;
	v36 =	vld [tilespmem:s25+$0x60]  }
0x147: {  	v45 =	vtrunc.f32 v45;
	v48 =	vmul.f32 $3.199999930e-01, v8;
	v43 =	vmax.f32 v43, $0.0e+00;
	v49 =	vld.idx.msk [tilespmem:v41+s13+$0x0], $0xffff  }
0x148: {  	v46 =	vtrunc.f32 v46;
	v50 =	vld [tilespmem:s25+$0xFFFFFF00];
	v51 =	vmul.f32 $3.199999930e-01, v43;
	v44 =	vmax.f32 v44, $0.0e+00  }
0x149: {  	v47 =	vtrunc.f32 v47;
	v52 =	vmul.f32 $3.199999930e-01, v44;
	v53 =	vmax.f32 v12, $0.0e+00;
	v54 =	vld.idx.msk [tilespmem:v17+s13+$0x0], $0xffff  }
0x14a: {  	v17 =	vtrunc.f32 v48;
	v48 =	vmul.f32 $3.199999930e-01, v53;
	v35 =	vmax.f32 v35, $0.0e+00;
	v55 =	vld.idx.msk [tilespmem:v16+s13+$0x0], $0xffff  }
0x14b: {  	v16 =	vtrunc.f32 v51;
	v51 =	vmul.f32 $3.199999930e-01, v35;
	v12 =	vmax.f32 v36, $0.0e+00;
	v36 =	vld.idx.msk [tilespmem:v15+s13+$0x0], $0xffff  }
0x14c: {  	v29 =	vadd.f32 v37, v29;
	v15 =	vtrunc.f32 v52;
	v52 =	vmul.f32 $3.199999930e-01, v12;
	v37 =	vld.idx.msk [tilespmem:v14+s13+$0x0], $0xffff  }
0x14d: {  	v14 =	vperm.xlane v0, v41;
	v39 =	vmul.f32 v49, v39;
	v50 =	vmax.f32 v50, $0.0e+00;
	v41 =	vld.idx.msk [tilespmem:v13+s13+$0x0], $0xffff  }
0x14e: {  	v28 =	vadd.f32 v38, v28;
	v48 =	vtrunc.f32 v48;
	v13 =	vmul.f32 $3.199999930e-01, v50;
	[tilespmem:s22+$0xFFFFFF70] =	vst v29  }
0x14f: {  	v38 =	vtrunc.f32 v51;
	v49 =	vtrunc.f32 v52;
	v14 =	vadd.f32 v39, v14  }
0x150: {  	v27 =	vadd.f32 v40, v27;
	v32 =	vcvt.f32.s32 v32;
	s22 =	sadd.s32 $0x200, s22;
	v13 =	vtrunc.f32 v13;
	[tilespmem:s23+$0x0] =	vst v28  }
0x151: {  	v40 =	vcvt.f32.s32 v30;
	v39 =	vcvt.f32.s32 v13;
	[tilespmem:s22+$0x70] =	vst v14;
	v13 =	vadd.f32 v18, v1;
	v1 =	vmovc v34  }
0x152: {  	v42 =	vcvt.f32.s32 v42;
	v51 =	vcvt.f32.s32 v31;
	[tilespmem:s23+$0x10] =	vst v27  }
0x153: {  	v45 =	vcvt.f32.s32 v45;
	v52 =	vcvt.f32.s32 v33;
	[tilespmem:s21+$0x60] =	vst v13;
	s21 =	smov.u32 s23;
	s23 =	smov.u32 s22  }
0x154: {  	v29 =	vcvt.f32.s32 v46;
	v28 =	vcvt.f32.s32 v47  }
0x155: {  	v27 =	vcvt.f32.s32 v17;
	v17 =	vcvt.f32.s32 v16  }
0x156: {  	v16 =	vcvt.f32.s32 v15;
	v15 =	vcvt.f32.s32 v48;
	v33 =	vld.idx.msk [tilespmem:v32+s13+$0x0], $0xffff  }
0x157: {  	v14 =	vcvt.f32.s32 v38;
	v13 =	vcvt.f32.s32 v49;
	v46 =	vld.idx.msk [tilespmem:v39+s13+$0x0], $0xffff  }
0x158: {  	v31 =	vmul.f32 v55, v3;
	v3 =	vmovc v44;
	v18 =	vmul.f32 v54, v2;
	v2 =	vmov v43;
	v47 =	vld.idx.msk [tilespmem:v40+s13+$0x0], $0xffff  }
0x159: {  	v36 =	vmul.f32 v36, v4;
	v4 =	vmovc v53;
	v38 =	vmul.f32 v37, v5;
	v5 =	vmov v35;
	v43 =	vld.idx.msk [tilespmem:v51+s13+$0x0], $0xffff  }
0x15a: {  	v44 =	vperm.xlane v0, v39;
	v30 =	vadd.f32 v18, v19;
	v18 =	vmul.f32 v41, v26;
	v34 =	vld.idx.msk [tilespmem:v42+s13+$0x0], $0xffff  }
.Ltmp10:
0x15b: {  	v37 =	vperm.xlane v0, v40;
	v31 =	vadd.f32 v31, v20;
	v39 =	vperm.xlane v0, v32;
	v26 =	vld.idx.msk [tilespmem:v52+s13+$0x0], $0xffff;
	(pc) =	sbr.rel @p0 .LBB2_17-.Ltmp10, $4  }
0x15c: {  	v35 =	vperm.xlane v0, v51;
	v32 =	vadd.f32 v36, v21;
	v20 =	vmul.f32 v33, v25;
	v25 =	vld.idx.msk [tilespmem:v45+s13+$0x0], $0xffff  }
0x15d: {  	v36 =	vperm.xlane v0, v42;
	v33 =	vadd.f32 v38, v23;
	v21 =	vmul.f32 v46, v50;
	v19 =	vld.idx.msk [tilespmem:v29+s13+$0x0], $0xffff  }
0x15e: {  	v38 =	vadd.f32 v20, v39;
	v39 =	vmul.f32 v47, v22;
	v22 =	vperm.xlane v0, v52;
	v20 =	vld.idx.msk [tilespmem:v28+s13+$0x0], $0xffff  }
0x15f: {  	s25 =	sadd.s32 $0x200, s25;
	v23 =	vperm.xlane v0, v45;
	v40 =	vadd.f32 v21, v44;
	v24 =	vmul.f32 v43, v24;
	v21 =	vld.idx.msk [tilespmem:v27+s13+$0x0], $0xffff  }
0x160: {  	[tilespmem:s22+$0xFFFFFF10] =	vst v38  }
0x161: {  	[tilespmem:s21+$0x20] =	vst v30  }
0x162: {  	[tilespmem:s21+$0x30] =	vst v31  }
0x163: {  	[tilespmem:s21+$0x40] =	vst v32  }
0x164: {  	v37 =	vadd.f32 v39, v37;
	v9 =	vmul.f32 v34, v9;
	v10 =	vmul.f32 v26, v10;
	[tilespmem:s21+$0x50] =	vst v33  }
0x165: {  	v49 =	vperm.xlane v0, v29;
	v50 =	vld.idx.msk [tilespmem:v17+s13+$0x0], $0xffff;
	v1 =	vadd.f32 v18, v1;
	[tilespmem:s22+$0xFFFFFF00] =	vst v40  }
0x166: {  	v51 =	vperm.xlane v0, v28;
	v52 =	vld.idx.msk [tilespmem:v16+s13+$0x0], $0xffff;
	v24 =	vadd.f32 v24, v35;
	[tilespmem:s22+$0xFFFFFF20] =	vst v37  }
0x167: {  	v53 =	vperm.xlane v0, v27;
	v11 =	vmul.f32 v25, v11;
	v9 =	vadd.f32 v9, v36;
	[tilespmem:s21+$0x60] =	vst v1  }
0x168: {  	v54 =	vld.idx.msk [tilespmem:v15+s13+$0x0], $0xffff;
	v10 =	vadd.f32 v10, v22;
	v7 =	vmul.f32 v19, v7;
	[tilespmem:s22+$0xFFFFFF30] =	vst v24  }
0x169: {  	v55 =	vld.idx.msk [tilespmem:v14+s13+$0x0], $0xffff;
	v48 =	vadd.f32 v11, v23;
	v6 =	vmul.f32 v20, v6;
	[tilespmem:s22+$0xFFFFFF40] =	vst v9  }
0x16a: {  	v56 =	vld.idx.msk [tilespmem:v13+s13+$0x0], $0xffff;
	[tilespmem:s22+$0xFFFFFF50] =	vst v10;
	v8 =	vmul.f32 v21, v8;
	v7 =	vadd.f32 v7, v49  }
0x16b: {  	v57 =	vperm.xlane v0, v17;
	[tilespmem:s22+$0xFFFFFF60] =	vst v48;
	v6 =	vadd.f32 v6, v51;
	v2 =	vmul.f32 v50, v2  }
0x16c: {  	v59 =	vperm.xlane v0, v16;
	v3 =	vmul.f32 v52, v3;
	[tilespmem:s22+$0xFFFFFF70] =	vst v7;
	v58 =	vadd.f32 v8, v53  }
0x16d: {  	v60 =	vperm.xlane v0, v15;
	v4 =	vmul.f32 v54, v4;
	[tilespmem:s23+$0x0] =	vst v6;
	v2 =	vadd.f32 v2, v57  }
0x16e: {  	v61 =	vperm.xlane v0, v14;
	v1 =	vmul.f32 v55, v5;
	v3 =	vadd.f32 v3, v59;
	[tilespmem:s23+$0x10] =	vst v58  }
0x16f: {  	v62 =	vperm.xlane v0, v13;
	v63 =	vmul.f32 v56, v12;
	v4 =	vadd.f32 v4, v60;
	[tilespmem:s23+$0x20] =	vst v2  }
0x170: {  	v1 =	vadd.f32 v1, v61;
	[tilespmem:s23+$0x30] =	vst v3  }
0x171: {  	s31 =	sadd.s32 s20, s3;
	[tilespmem:s23+$0x40] =	vst v4;
	v2 =	vadd.f32 v63, v62  }
0x172: {  	s24 =	simm.s32 $0x8180;
	s21 =	sadd.s32 $0x800, s31;
	[tilespmem:s23+$0x50] =	vst v1  }
0x173: {  	s25 =	sadd.s32 $0x0, s21;
	s22 =	simm.s32 $0x8080;
	[tilespmem:s23+$0x60] =	vst v2;
	s23 =	simm.s32 $0x10  }
.LBB2_19:
0x174: {  	[hbm4b:s25+s4] =	stream.linear.scatter [tilespmem:s22], [sflag:$0x4], $0x80, $0x38;
	[tilespmem:$0x10100] =	vst v63  }
0x175: {  	s25 =	smov.u32 s23;
	s22 =	smov.u32 s24;
	p0 =	sne.s32 s23, $0x7F0  }
.Ltmp11:
0x176: {  	s23 =	sadd.s32 $0x10, s23;
	(pc) =	sbr.rel @p0 .LBB2_19-.Ltmp11, $2  }
0x177: {  	_ =	sdelay $0x2  }
0x178: {  	s24 =	sadd.s32 $0x100, s24;
	s25 =	sadd.s32 s25, s21  }
0x179: {  	p0 =	seq.s32 s19, $0xF  }
.Ltmp12:
0x17a: {  	_ = 	snop;
	(pc) =	sbr.rel @p0 .LBB2_24-.Ltmp12, $2  }
0x17b: {  	_ =	sdelay $0x2  }
0x17c: {  	[hbm4b:s25+s4] =	stream.linear.scatter [tilespmem:s22], [sflag:$0x4], $0x80, $0x38;
	[tilespmem:$0x10100] =	vst v63  }
0x17d: {  	s20 =	sadd.s32 s1, s20  }
0x17e: {  	s21 =	simm.s32 $0x80;
	s20 =	sadd.s32 $0x1800, s20  }
0x17f: {  	s22 =	simm.s32 $0x10;
	s23 =	simm.s32 $0x180;
	s24 =	sadd.s32 $0x0, s20  }
.LBB2_22:
0x180: {  	[tilespmem:s21], [sflag:$0x2] =	stream.linear.gather [hbm4b:s24+s4], $0x80, $0x38;
	[tilespmem:$0x10100] =	vst v63  }
0x181: {  	s24 =	smov.u32 s22;
	s21 =	smov.u32 s23;
	p0 =	sne.s32 s22, $0x7F0  }
.Ltmp13:
0x182: {  	s22 =	sadd.s32 $0x10, s22;
	(pc) =	sbr.rel @p0 .LBB2_22-.Ltmp13, $2  }
0x183: {  	_ =	sdelay $0x2  }
0x184: {  	s23 =	sadd.s32 $0x100, s23;
	s24 =	sadd.s32 s24, s20  }
.Ltmp14:
0x185: {  	(pc) =	sbr.rel .LBB2_6-.Ltmp14, $3  }
0x186: {  	_ =	sdelay $0x1  }
0x187: {  	[tilespmem:s21], [sflag:$0x2] =	stream.linear.gather [hbm4b:s24+s4], $0x80, $0x38;
	[tilespmem:$0x10100] =	vst v63  }
0x188: {  	s19 =	sadd.s32 $0x1, s19  }
.LBB2_25:
0x189: {  	_ =	sfence.sel $0x180000  }
0x18a: {  	[bflag:$0x0] =	sbarrier.arrive $0xFFFF  }
0x18b: {  	p0 =	sne.s32 s2, $0x0;
	_ =	strace $0x90000047  }
0x18c: {  	s0 =	sadd.s32 @!p0 $0x100000, s0;
	[bflag:$0x2] =	sbarrier.arrive $0xFFFF  }
0x18d: {  	[sflag:s0] =	ssyncadd.tile.s32 @!p0 $0x1;
	_ =	shalt  }
.Lfunc_end2:
_tile_overlayer_lowered:
.L_overlay_start_2:
0x18e: {  	(tag) =	ssettag $0x2  }
0x18f: {  	s0 =	rddreg [dreg:$0x0];
	s2 =	stileid.u32  }
0x190: {  	s1 =	rddreg [dreg:$0x1];
	p0 =	sne.s32 s2, $0x0  }
0x191: {  	s3 =	rddreg [dreg:$0x2];
	[bflag:$0x3] =	sbarrier.arrive $0xFFFF;
	s2 =	simm.s32 @!p0 $0x1C05  }
0x192: {  	[timem:s3], [sflag:s2] =	dma.local @!p0 [hbm:s0], s1  }
0x193: {  	s0 =	simm.s32 @!p0 $0x5  }
0x194: {  	_ =	swait.ge @!p0 [sflag:s0], s1  }
0x195: {  	s1 =	ssub.s32 @!p0 $0x0, s1;
	[sflag:s0] =	ssyncset.done @!p0 $0x0  }
0x196: {  	[sflag:s0] =	ssyncadd.s32 @!p0 s1  }
0x197: {  	[bflag:$0x3] =	sbarrier.arrive $0xFFFF  }
0x198: {  	_ =	shalt  }

</sc_bundles>
